<compile_context>
chip_gen: v7x
topology: tpu7x:2x2x1
jax: 0.10.2.dev20260603
libtpu: 0.0.44.dev20260713+nightly
codegen_flags: <defaults>
</compile_context>

<pallas_src>
import functools

import jax
import jax.numpy as jnp
from jax import lax
from jax.experimental import pallas as pl
from jax.experimental.pallas import tpu as pltpu
from jax.experimental.pallas import tpu_sc as plsc

K = 20
TOPK_TN = 256
COMB_TN = 128
GATHER_CHUNK = 128


def _topk_kernel(xt_ref, x_ref, w1_ref, w2_ref, b_ref,
                 idx_ref, w_ref, y1_ref, y2_ref, scol_ref):
    xt = xt_ref[0]
    xb = x_ref[0]

    @pl.when(pl.program_id(1) == 0)
    def _():
        scol_ref[...] = jnp.sum(xb * xb, axis=0, keepdims=True)

    s_row = jnp.sum(xt * xt, axis=1, keepdims=True)
    s_col = scol_ref[...]
    prod = jnp.dot(xt, xb, preferred_element_type=jnp.float32,
                   precision=lax.Precision.HIGHEST)
    d = (-2.0 * prod + s_row) + s_col
    d = jnp.maximum(d, 0.0)
    tn, n = d.shape
    col = lax.broadcasted_iota(jnp.int32, (tn, n), 1)
    off = pl.program_id(0) * jnp.int32(n)
    bits = lax.bitcast_convert_type(d, jnp.int32)
    key_i = jnp.bitwise_or(jnp.bitwise_and(bits, jnp.int32(~2047)), col)
    key = lax.bitcast_convert_type(key_i, jnp.float32)
    idx_cols = []
    w_cols = []
    for t in range(K + 1):
        mf = jnp.min(key, axis=1, keepdims=True)
        if t > 0:
            mk = lax.bitcast_convert_type(mf, jnp.int32)
            idx_cols.append(jnp.bitwise_and(mk, jnp.int32(2047)))
            m = lax.bitcast_convert_type(
                jnp.bitwise_and(mk, jnp.int32(~2047)), jnp.float32)
            dist_sat = 2.0 * jax.nn.sigmoid(m) - 1.0
            w_cols.append(1.0 - dist_sat)
        key = jnp.where(key == mf, jnp.float32(jnp.inf), key)
    idx_ref[0] = jnp.concatenate(idx_cols, axis=1) + off
    w_ref[0] = jnp.concatenate(w_cols, axis=1)
    y1_ref[0] = jnp.dot(xt, w1_ref[...], preferred_element_type=jnp.float32,
                        precision=lax.Precision.HIGHEST) + b_ref[...]
    y2_ref[0] = jnp.dot(xt, w2_ref[...], preferred_element_type=jnp.float32,
                        precision=lax.Precision.HIGHEST)


def _make_sc_gather(rows_total, d_model, dtype):
    info = plsc.get_sparse_core_info()
    nc, ns = info.num_cores, info.num_subcores
    nw = nc * ns
    per_w = rows_total // nw
    ch = GATHER_CHUNK
    n_ch = per_w // ch
    assert per_w % ch == 0 and n_ch % 4 == 0 and n_ch >= 8
    mesh = plsc.VectorSubcoreMesh(core_axis_name="c", subcore_axis_name="s")

    @functools.partial(
        pl.kernel, mesh=mesh,
        compiler_params=pltpu.CompilerParams(use_tc_tiling_on_sc=False),
        out_type=jax.ShapeDtypeStruct((rows_total, d_model), dtype),
        scratch_types=[
            pltpu.VMEM((per_w,), jnp.int32),
            pltpu.VMEM((ch, d_model), dtype),
            pltpu.VMEM((ch, d_model), dtype),
            pltpu.VMEM((ch, d_model), dtype),
            pltpu.VMEM((ch, d_model), dtype),
            pltpu.SemaphoreType.DMA,
            pltpu.SemaphoreType.DMA,
            pltpu.SemaphoreType.DMA,
            pltpu.SemaphoreType.DMA,
            pltpu.SemaphoreType.DMA,
            pltpu.SemaphoreType.DMA,
            pltpu.SemaphoreType.DMA,
            pltpu.SemaphoreType.DMA,
        ],
    )
    def sc_gather(table_hbm, idx_hbm, out_hbm, idx_v,
                  rows0, rows1, rows2, rows3,
                  gs0, gs1, gs2, gs3, ws0, ws1, ws2, ws3):
        wid = lax.axis_index("s") * nc + lax.axis_index("c")
        base = pl.multiple_of(wid * per_w, ch)
        pltpu.sync_copy(idx_hbm.at[pl.ds(base, per_w)], idx_v)
        bufs = (rows0, rows1, rows2, rows3)
        gsems = (gs0, gs1, gs2, gs3)
        wsems = (ws0, ws1, ws2, ws3)

        def gather(i, slot):
            src = table_hbm.at[idx_v.at[pl.ds(pl.multiple_of(i * ch, ch), ch)]]
            return pltpu.make_async_copy(src, bufs[slot], gsems[slot])

        def write(i, slot):
            dst = out_hbm.at[pl.ds(pl.multiple_of(base + i * ch, ch), ch)]
            return pltpu.make_async_copy(bufs[slot], dst, wsems[slot])

        for s in range(4):
            gather(s, s).start()

        def body(g, carry):
            i0 = g * 4
            for s in range(4):
                i = i0 + s
                gather(i, s).wait()
                write(i, s).start()

                @pl.when(i + 4 < n_ch)
                def _():
                    write(i, s).wait()
                    gather(i + 4, s).start()
            return carry

        lax.fori_loop(0, n_ch // 4, body, 0)
        for s in range(4):
            write(n_ch - 4 + s, s).wait()

    return sc_gather


def _combine_kernel(g_ref, w_ref, y1_ref, mx_ref, mn_ref, s1_ref, s2_ref):
    wv = w_ref[0]
    y1 = y1_ref[0]
    mx = None
    mn = None
    s1 = jnp.zeros((1, y1.shape[1]), jnp.float32)
    s2 = jnp.zeros((1, y1.shape[1]), jnp.float32)
    for j in range(K):
        g = g_ref[0, :, j, :].astype(jnp.float32)
        o = y1 + wv[:, j:j + 1] * g
        mx = o if mx is None else jnp.maximum(mx, o)
        mn = o if mn is None else jnp.minimum(mn, o)
        s1 = s1 + jnp.sum(o, axis=0, keepdims=True)
        s2 = s2 + jnp.sum(o * o, axis=0, keepdims=True)
    mx_ref[0] = mx
    mn_ref[0] = mn
    step = pl.program_id(0) * pl.num_programs(1) + pl.program_id(1)

    @pl.when(step == 0)
    def _():
        s1_ref[...] = jnp.zeros_like(s1_ref)
        s2_ref[...] = jnp.zeros_like(s2_ref)

    s1_ref[...] += s1
    s2_ref[...] += s2


def _finalize_kernel(mx_ref, mn_ref, s1_ref, s2_ref, g_ref, be_ref, o_ref,
                     *, count):
    s1 = s1_ref[...]
    s2 = s2_ref[...]
    mean = s1 * (1.0 / count)
    var = s2 * (1.0 / count) - mean * mean
    gm = g_ref[...]
    scale = gm * lax.rsqrt(var + 1e-5)
    shift = be_ref[...] - mean * scale
    sel = jnp.where(gm >= 0.0, mx_ref[0], mn_ref[0])
    o_ref[0] = jnp.maximum(sel * scale + shift, 0.0)


def kernel(x, W, b, gamma, beta):
    B, Fin, N = x.shape
    Fout = W.shape[0]
    xt = jnp.transpose(x, (0, 2, 1))
    w1t = jnp.transpose(W[:, :Fin])
    w2t = jnp.transpose(W[:, Fin:])
    b2 = b.reshape(1, Fout)
    g2 = gamma.reshape(1, Fout)
    be2 = beta.reshape(1, Fout)

    tn = TOPK_TN
    idx, wgt, y1, y2 = pl.pallas_call(
        _topk_kernel,
        grid=(B, N // tn),
        in_specs=[
            pl.BlockSpec((1, tn, Fin), lambda bb, i: (bb, i, 0)),
            pl.BlockSpec((1, Fin, N), lambda bb, i: (bb, 0, 0)),
            pl.BlockSpec((Fin, Fout), lambda bb, i: (0, 0)),
            pl.BlockSpec((Fin, Fout), lambda bb, i: (0, 0)),
            pl.BlockSpec((1, Fout), lambda bb, i: (0, 0)),
        ],
        out_specs=[
            pl.BlockSpec((1, tn, K), lambda bb, i: (bb, i, 0)),
            pl.BlockSpec((1, tn, K), lambda bb, i: (bb, i, 0)),
            pl.BlockSpec((1, tn, Fout), lambda bb, i: (bb, i, 0)),
            pl.BlockSpec((1, tn, Fout), lambda bb, i: (bb, i, 0)),
        ],
        out_shape=[
            jax.ShapeDtypeStruct((B, N, K), jnp.int32),
            jax.ShapeDtypeStruct((B, N, K), jnp.float32),
            jax.ShapeDtypeStruct((B, N, Fout), jnp.float32),
            jax.ShapeDtypeStruct((B, N, Fout), jnp.float32),
        ],
        scratch_shapes=[pltpu.VMEM((1, N), jnp.float32)],
    )(xt, x, w1t, w2t, b2)

    rows_total = B * N * K
    gath = _make_sc_gather(rows_total, Fout, jnp.bfloat16)(
        y2.reshape(B * N, Fout).astype(jnp.bfloat16), idx.reshape(rows_total))
    gath = gath.reshape(B, N, K, Fout)

    ctn = COMB_TN
    mx, mn, s1, s2 = pl.pallas_call(
        _combine_kernel,
        grid=(B, N // ctn),
        in_specs=[
            pl.BlockSpec((1, ctn, K, Fout), lambda bb, i: (bb, i, 0, 0)),
            pl.BlockSpec((1, ctn, K), lambda bb, i: (bb, i, 0)),
            pl.BlockSpec((1, ctn, Fout), lambda bb, i: (bb, i, 0)),
        ],
        out_specs=[
            pl.BlockSpec((1, ctn, Fout), lambda bb, i: (bb, i, 0)),
            pl.BlockSpec((1, ctn, Fout), lambda bb, i: (bb, i, 0)),
            pl.BlockSpec((1, Fout), lambda bb, i: (0, 0)),
            pl.BlockSpec((1, Fout), lambda bb, i: (0, 0)),
        ],
        out_shape=[
            jax.ShapeDtypeStruct((B, N, Fout), jnp.float32),
            jax.ShapeDtypeStruct((B, N, Fout), jnp.float32),
            jax.ShapeDtypeStruct((1, Fout), jnp.float32),
            jax.ShapeDtypeStruct((1, Fout), jnp.float32),
        ],
    )(gath, wgt, y1)

    fin_k = functools.partial(_finalize_kernel, count=float(B * N * K))
    out = pl.pallas_call(
        fin_k,
        grid=(B, N // tn),
        in_specs=[
            pl.BlockSpec((1, tn, Fout), lambda bb, i: (bb, i, 0)),
            pl.BlockSpec((1, tn, Fout), lambda bb, i: (bb, i, 0)),
            pl.BlockSpec((1, Fout), lambda bb, i: (0, 0)),
            pl.BlockSpec((1, Fout), lambda bb, i: (0, 0)),
            pl.BlockSpec((1, Fout), lambda bb, i: (0, 0)),
            pl.BlockSpec((1, Fout), lambda bb, i: (0, 0)),
        ],
        out_specs=pl.BlockSpec((1, tn, Fout), lambda bb, i: (bb, i, 0)),
        out_shape=jax.ShapeDtypeStruct((B, N, Fout), jnp.float32),
    )(mx, mn, s1, s2, g2, be2)

    return jnp.transpose(out, (0, 2, 1))

# --- scband reference (transcript-rebuilt; emitter-appended) ---
"""Pipeline reference for scband-edge-conv-73254962200982 (READ-ONLY COPY).

The authoritative reference and input builder live on the scoring server;
editing this copy changes nothing except your own understanding.
"""

import jax, jax.numpy as jnp
import numpy as np

K_NEIGHBORS = 20


def setup_inputs(seed: int = 0) -> dict:
    key = jax.random.key(seed)
    k1, k2, k3, k4, k5 = jax.random.split(key, 5)
    B, Fin, N = 8, 64, 2048
    Fout = 64
    x = jax.random.normal(k1, (B, Fin, N), dtype=jnp.float32)
    # conv2dbr = 1x1 Conv2d + BatchNorm2d + ReLU
    W = jax.random.normal(k2, (Fout, 2 * Fin), dtype=jnp.float32) * 0.05
    b = jnp.zeros((Fout,), dtype=jnp.float32)
    gamma = jnp.ones((Fout,), dtype=jnp.float32)
    beta = jnp.zeros((Fout,), dtype=jnp.float32)
    return {"x": x, "W": W, "b": b, "gamma": gamma, "beta": beta}


def get_edge_features(x, k):
    B, dims, N = x.shape
    xt = jnp.transpose(x, (0, 2, 1))                       # [B, N, dims]
    xi = -2.0 * jnp.einsum('bnd,bdm->bnm', xt, x)          # [B, N, N]
    xs = jnp.sum(xt ** 2, axis=2, keepdims=True)           # [B, N, 1]
    xst = jnp.transpose(xs, (0, 2, 1))                     # [B, 1, N]
    dist = xi + xs + xst                                   # [B, N, N]
    dist = 2.0 * jax.nn.sigmoid(dist) - 1.0
    idx = jnp.argsort(dist, axis=2)
    dist_sorted = jnp.take_along_axis(dist, idx, axis=2)
    dist_k = dist_sorted[:, :, 1:k + 1]                    # [B, N, k]
    idx_k = idx[:, :, 1:k + 1].reshape(B, N * k)           # [B, N*k]
    # per-batch gather of neighbor features
    neighbors = jax.vmap(lambda xb, ib: jnp.take(xb, ib, axis=1))(x, idx_k)
    neighbors = neighbors.reshape(B, dims, N, k)
    neighbors = (1.0 - dist_k)[:, None, :, :] * neighbors
    central = jnp.broadcast_to(x[:, :, :, None], (B, dims, N, k))
    ee = jnp.concatenate([central, neighbors], axis=1)     # [B, 2*dims, N, k]
    return ee


def reference(x, W, b, gamma, beta):
    k = K_NEIGHBORS
    B, Fin, N = x.shape
    ee = get_edge_features(x, k)                           # [B, 2Fin, N, k]
    # 1x1 conv == channel matmul
    out = jnp.einsum('oc,bcnk->bonk', W, ee) + b[None, :, None, None]
    # BatchNorm2d (training-mode batch statistics)
    mean = jnp.mean(out, axis=(0, 2, 3), keepdims=True)
    var = jnp.var(out, axis=(0, 2, 3), keepdims=True)
    out = (out - mean) / jnp.sqrt(var + 1e-5)
    out = out * gamma[None, :, None, None] + beta[None, :, None, None]
    out = jax.nn.relu(out)
    out = jnp.max(out, axis=3)                             # [B, Fout, N]
    return out

if __name__ == "__main__":
    import jax
    _d = setup_inputs()
    print(jax.jit(kernel)(*tuple(_d.values())))

</pallas_src>

<mosaic_0001>
#map = affine_map<(d0, d1) -> (0, 0)>
#map1 = affine_map<(d0, d1) -> (0)>
module attributes {stable_mosaic.version = 14 : i64} {
  func.func @sc_gather(%arg0: i32, %arg1: i32, %arg2: memref<16384x64xbf16, #tpu.memory_space<hbm>>, %arg3: memref<327680xi32, #tpu.memory_space<hbm>>, %arg4: memref<327680x64xbf16, #tpu.memory_space<hbm>>, %arg5: memref<10240xi32, #tpu.memory_space<vmem>>, %arg6: memref<128x64xbf16, #tpu.memory_space<vmem>>, %arg7: memref<128x64xbf16, #tpu.memory_space<vmem>>, %arg8: memref<128x64xbf16, #tpu.memory_space<vmem>>, %arg9: memref<128x64xbf16, #tpu.memory_space<vmem>>, %arg10: memref<!tpu.dma_semaphore, #tpu.memory_space<semaphore_mem>>, %arg11: memref<!tpu.dma_semaphore, #tpu.memory_space<semaphore_mem>>, %arg12: memref<!tpu.dma_semaphore, #tpu.memory_space<semaphore_mem>>, %arg13: memref<!tpu.dma_semaphore, #tpu.memory_space<semaphore_mem>>, %arg14: memref<!tpu.dma_semaphore, #tpu.memory_space<semaphore_mem>>, %arg15: memref<!tpu.dma_semaphore, #tpu.memory_space<semaphore_mem>>, %arg16: memref<!tpu.dma_semaphore, #tpu.memory_space<semaphore_mem>>, %arg17: memref<!tpu.dma_semaphore, #tpu.memory_space<semaphore_mem>>) attributes {dimension_semantics = [#tpu.dimension_semantics<core_parallel>, #tpu.dimension_semantics<subcore_parallel>], iteration_bounds = array<i64: 2, 16>, scalar_prefetch = 0 : i64, scratch_operands = 13 : i64, tpu.core_type = #tpu.core_type<sc_vector_subcore>, window_params = [{transform_indices = #map}, {transform_indices = #map1}, {transform_indices = #map}]} {
    %mul3A = arith.constant 2 : i32
    %mul3A_0 = arith.muli %arg1, %mul3A : i32
    %add3A = arith.addi %mul3A_0, %arg0 : i32
    %mul3A_1 = arith.constant 10240 : i32
    %mul3A_2 = arith.muli %add3A, %mul3A_1 : i32
    %multiple_of3A = tpu.assume_multiple %mul3A_2, 128 : i32
    "tpu.region"() ({
      %run_scoped3A = tpu.sem_alloc : memref<!tpu.dma_semaphore, #tpu.memory_space<semaphore_mem>>
      %dma_start3A_58 = tpu.memref_slice %arg3[%multiple_of3A] : memref<327680xi32, #tpu.memory_space<hbm>> -> memref<10240xi32, #tpu.memory_space<hbm>>
      %dma_start3A_59 = tpu.memref_slice %arg3[%multiple_of3A] : memref<327680xi32, #tpu.memory_space<hbm>> -> memref<10240xi32, #tpu.memory_space<hbm>>
      tpu.enqueue_dma source(%dma_start3A_59 : memref<10240xi32, #tpu.memory_space<hbm>>) target(%arg5 : memref<10240xi32, #tpu.memory_space<vmem>>) target_semaphore(%run_scoped3A : memref<!tpu.dma_semaphore, #tpu.memory_space<semaphore_mem>>)
      %dma_wait3A_60 = tpu.memref_slice %arg3[%multiple_of3A] : memref<327680xi32, #tpu.memory_space<hbm>> -> memref<10240xi32, #tpu.memory_space<hbm>>
      %dma_wait3A_61 = tpu.memref_slice %arg3[%multiple_of3A] : memref<327680xi32, #tpu.memory_space<hbm>> -> memref<10240xi32, #tpu.memory_space<hbm>>
      tpu.wait_dma2 semaphore(%run_scoped3A : memref<!tpu.dma_semaphore, #tpu.memory_space<semaphore_mem>>) src(%dma_wait3A_61 : memref<10240xi32, #tpu.memory_space<hbm>>) dst(%arg5 : memref<10240xi32, #tpu.memory_space<vmem>>)
      tpu.yield
    }) : () -> ()
    %multiple_of3A_3 = arith.constant 0 : i32
    %multiple_of3A_4 = tpu.assume_multiple %multiple_of3A_3, 128 : i32
    %dma_start3A = tpu.memref_slice %arg5[%multiple_of3A_4] : memref<10240xi32, #tpu.memory_space<vmem>> -> memref<128xi32, #tpu.memory_space<vmem>>
    %dma_start3A_5 = arith.constant 0 : i32
    %dma_start3A_6 = arith.constant 0 : i32
    %dma_start3A_7 = tpu.memref_slice %arg2[%dma_start3A_5, %dma_start3A_6] : memref<16384x64xbf16, #tpu.memory_space<hbm>> -> memref<16384x64xbf16, #tpu.memory_space<hbm>>
    tpu.enqueue_indirect_dma source(%dma_start3A_7 : memref<16384x64xbf16, #tpu.memory_space<hbm>>) target(%arg6 : memref<128x64xbf16, #tpu.memory_space<vmem>>) offsets(%dma_start3A : memref<128xi32, #tpu.memory_space<vmem>>) semaphore(%arg10 : memref<!tpu.dma_semaphore, #tpu.memory_space<semaphore_mem>>)
    %multiple_of3A_8 = arith.constant 128 : i32
    %multiple_of3A_9 = tpu.assume_multiple %multiple_of3A_8, 128 : i32
    %dma_start3A_10 = tpu.memref_slice %arg5[%multiple_of3A_9] : memref<10240xi32, #tpu.memory_space<vmem>> -> memref<128xi32, #tpu.memory_space<vmem>>
    %dma_start3A_11 = arith.constant 0 : i32
    %dma_start3A_12 = arith.constant 0 : i32
    %dma_start3A_13 = tpu.memref_slice %arg2[%dma_start3A_11, %dma_start3A_12] : memref<16384x64xbf16, #tpu.memory_space<hbm>> -> memref<16384x64xbf16, #tpu.memory_space<hbm>>
    tpu.enqueue_indirect_dma source(%dma_start3A_13 : memref<16384x64xbf16, #tpu.memory_space<hbm>>) target(%arg7 : memref<128x64xbf16, #tpu.memory_space<vmem>>) offsets(%dma_start3A_10 : memref<128xi32, #tpu.memory_space<vmem>>) semaphore(%arg11 : memref<!tpu.dma_semaphore, #tpu.memory_space<semaphore_mem>>)
    %multiple_of3A_14 = arith.constant 256 : i32
    %multiple_of3A_15 = tpu.assume_multiple %multiple_of3A_14, 128 : i32
    %dma_start3A_16 = tpu.memref_slice %arg5[%multiple_of3A_15] : memref<10240xi32, #tpu.memory_space<vmem>> -> memref<128xi32, #tpu.memory_space<vmem>>
    %dma_start3A_17 = arith.constant 0 : i32
    %dma_start3A_18 = arith.constant 0 : i32
    %dma_start3A_19 = tpu.memref_slice %arg2[%dma_start3A_17, %dma_start3A_18] : memref<16384x64xbf16, #tpu.memory_space<hbm>> -> memref<16384x64xbf16, #tpu.memory_space<hbm>>
    tpu.enqueue_indirect_dma source(%dma_start3A_19 : memref<16384x64xbf16, #tpu.memory_space<hbm>>) target(%arg8 : memref<128x64xbf16, #tpu.memory_space<vmem>>) offsets(%dma_start3A_16 : memref<128xi32, #tpu.memory_space<vmem>>) semaphore(%arg12 : memref<!tpu.dma_semaphore, #tpu.memory_space<semaphore_mem>>)
    %multiple_of3A_20 = arith.constant 384 : i32
    %multiple_of3A_21 = tpu.assume_multiple %multiple_of3A_20, 128 : i32
    %dma_start3A_22 = tpu.memref_slice %arg5[%multiple_of3A_21] : memref<10240xi32, #tpu.memory_space<vmem>> -> memref<128xi32, #tpu.memory_space<vmem>>
    %dma_start3A_23 = arith.constant 0 : i32
    %dma_start3A_24 = arith.constant 0 : i32
    %dma_start3A_25 = tpu.memref_slice %arg2[%dma_start3A_23, %dma_start3A_24] : memref<16384x64xbf16, #tpu.memory_space<hbm>> -> memref<16384x64xbf16, #tpu.memory_space<hbm>>
    tpu.enqueue_indirect_dma source(%dma_start3A_25 : memref<16384x64xbf16, #tpu.memory_space<hbm>>) target(%arg9 : memref<128x64xbf16, #tpu.memory_space<vmem>>) offsets(%dma_start3A_22 : memref<128xi32, #tpu.memory_space<vmem>>) semaphore(%arg13 : memref<!tpu.dma_semaphore, #tpu.memory_space<semaphore_mem>>)
    %scan3A = arith.constant 0 : i32
    %scan3A_26 = arith.constant 0 : i32
    %scan3A_27 = arith.constant 20 : i32
    %scan3A_28 = arith.addi %scan3A_26, %scan3A_27 : i32
    %scan3A_29 = arith.constant 1 : i32
    scf.for %scan3A_58 = %scan3A_26 to %scan3A_28 step %scan3A_29  : i32 {
      %mul3A_59 = arith.constant 4 : i32
      %mul3A_60 = arith.muli %scan3A_58, %mul3A_59 : i32
      %add3A_61 = arith.constant 0 : i32
      %add3A_62 = arith.addi %mul3A_60, %add3A_61 : i32
      %mul3A_63 = arith.constant 128 : i32
      %mul3A_64 = arith.muli %add3A_62, %mul3A_63 : i32
      %multiple_of3A_65 = tpu.assume_multiple %mul3A_64, 128 : i32
      %dma_wait3A_66 = tpu.memref_slice %arg5[%multiple_of3A_65] : memref<10240xi32, #tpu.memory_space<vmem>> -> memref<128xi32, #tpu.memory_space<vmem>>
      %dma_wait3A_67 = arith.constant 0 : i32
      %dma_wait3A_68 = arith.constant 0 : i32
      %dma_wait3A_69 = tpu.memref_slice %arg2[%dma_wait3A_67, %dma_wait3A_68] : memref<16384x64xbf16, #tpu.memory_space<hbm>> -> memref<16384x64xbf16, #tpu.memory_space<hbm>>
      tpu.wait_indirect_dma semaphore(%arg10 : memref<!tpu.dma_semaphore, #tpu.memory_space<semaphore_mem>>) src(%dma_wait3A_69 : memref<16384x64xbf16, #tpu.memory_space<hbm>>) dst(%arg6 : memref<128x64xbf16, #tpu.memory_space<vmem>>)
      %mul3A_70 = arith.constant 128 : i32
      %mul3A_71 = arith.muli %add3A_62, %mul3A_70 : i32
      %add3A_72 = arith.addi %multiple_of3A, %mul3A_71 : i32
      %multiple_of3A_73 = tpu.assume_multiple %add3A_72, 128 : i32
      %dma_start3A_74 = arith.constant 0 : i32
      %dma_start3A_75 = tpu.memref_slice %arg4[%multiple_of3A_73, %dma_start3A_74] : memref<327680x64xbf16, #tpu.memory_space<hbm>> -> memref<128x64xbf16, #tpu.memory_space<hbm>>
      %dma_start3A_76 = arith.constant 0 : i32
      %dma_start3A_77 = tpu.memref_slice %arg4[%multiple_of3A_73, %dma_start3A_76] : memref<327680x64xbf16, #tpu.memory_space<hbm>> -> memref<128x64xbf16, #tpu.memory_space<hbm>>
      tpu.enqueue_dma source(%arg6 : memref<128x64xbf16, #tpu.memory_space<vmem>>) target(%dma_start3A_77 : memref<128x64xbf16, #tpu.memory_space<hbm>>) target_semaphore(%arg14 : memref<!tpu.dma_semaphore, #tpu.memory_space<semaphore_mem>>)
      %add3A_78 = arith.constant 4 : i32
      %add3A_79 = arith.addi %add3A_62, %add3A_78 : i32
      %lt3A = arith.constant 80 : i32
      %lt3A_80 = arith.cmpi slt, %add3A_79, %lt3A : i32
      %convert_element_type3A = arith.extui %lt3A_80 : i1 to i32
      %cond3A = arith.constant 0 : i32
      %cond3A_81 = arith.cmpi ne, %convert_element_type3A, %cond3A : i32
      scf.if %cond3A_81 {
        %mul3A_154 = arith.constant 128 : i32
        %mul3A_155 = arith.muli %add3A_62, %mul3A_154 : i32
        %add3A_156 = arith.addi %multiple_of3A, %mul3A_155 : i32
        %multiple_of3A_157 = tpu.assume_multiple %add3A_156, 128 : i32
        %dma_wait3A_158 = arith.constant 0 : i32
        %dma_wait3A_159 = tpu.memref_slice %arg4[%multiple_of3A_157, %dma_wait3A_158] : memref<327680x64xbf16, #tpu.memory_space<hbm>> -> memref<128x64xbf16, #tpu.memory_space<hbm>>
        %dma_wait3A_160 = arith.constant 0 : i32
        %dma_wait3A_161 = tpu.memref_slice %arg4[%multiple_of3A_157, %dma_wait3A_160] : memref<327680x64xbf16, #tpu.memory_space<hbm>> -> memref<128x64xbf16, #tpu.memory_space<hbm>>
        tpu.wait_dma2 semaphore(%arg14 : memref<!tpu.dma_semaphore, #tpu.memory_space<semaphore_mem>>) src(%arg6 : memref<128x64xbf16, #tpu.memory_space<vmem>>) dst(%dma_wait3A_161 : memref<128x64xbf16, #tpu.memory_space<hbm>>)
        %add3A_162 = arith.constant 4 : i32
        %add3A_163 = arith.addi %add3A_62, %add3A_162 : i32
        %mul3A_164 = arith.constant 128 : i32
        %mul3A_165 = arith.muli %add3A_163, %mul3A_164 : i32
        %multiple_of3A_166 = tpu.assume_multiple %mul3A_165, 128 : i32
        %dma_start3A_167 = tpu.memref_slice %arg5[%multiple_of3A_166] : memref<10240xi32, #tpu.memory_space<vmem>> -> memref<128xi32, #tpu.memory_space<vmem>>
        %dma_start3A_168 = arith.constant 0 : i32
        %dma_start3A_169 = arith.constant 0 : i32
        %dma_start3A_170 = tpu.memref_slice %arg2[%dma_start3A_168, %dma_start3A_169] : memref<16384x64xbf16, #tpu.memory_space<hbm>> -> memref<16384x64xbf16, #tpu.memory_space<hbm>>
        tpu.enqueue_indirect_dma source(%dma_start3A_170 : memref<16384x64xbf16, #tpu.memory_space<hbm>>) target(%arg6 : memref<128x64xbf16, #tpu.memory_space<vmem>>) offsets(%dma_start3A_167 : memref<128xi32, #tpu.memory_space<vmem>>) semaphore(%arg10 : memref<!tpu.dma_semaphore, #tpu.memory_space<semaphore_mem>>)
      } else {
      }
      %add3A_82 = arith.constant 1 : i32
      %add3A_83 = arith.addi %mul3A_60, %add3A_82 : i32
      %mul3A_84 = arith.constant 128 : i32
      %mul3A_85 = arith.muli %add3A_83, %mul3A_84 : i32
      %multiple_of3A_86 = tpu.assume_multiple %mul3A_85, 128 : i32
      %dma_wait3A_87 = tpu.memref_slice %arg5[%multiple_of3A_86] : memref<10240xi32, #tpu.memory_space<vmem>> -> memref<128xi32, #tpu.memory_space<vmem>>
      %dma_wait3A_88 = arith.constant 0 : i32
      %dma_wait3A_89 = arith.constant 0 : i32
      %dma_wait3A_90 = tpu.memref_slice %arg2[%dma_wait3A_88, %dma_wait3A_89] : memref<16384x64xbf16, #tpu.memory_space<hbm>> -> memref<16384x64xbf16, #tpu.memory_space<hbm>>
      tpu.wait_indirect_dma semaphore(%arg11 : memref<!tpu.dma_semaphore, #tpu.memory_space<semaphore_mem>>) src(%dma_wait3A_90 : memref<16384x64xbf16, #tpu.memory_space<hbm>>) dst(%arg7 : memref<128x64xbf16, #tpu.memory_space<vmem>>)
      %mul3A_91 = arith.constant 128 : i32
      %mul3A_92 = arith.muli %add3A_83, %mul3A_91 : i32
      %add3A_93 = arith.addi %multiple_of3A, %mul3A_92 : i32
      %multiple_of3A_94 = tpu.assume_multiple %add3A_93, 128 : i32
      %dma_start3A_95 = arith.constant 0 : i32
      %dma_start3A_96 = tpu.memref_slice %arg4[%multiple_of3A_94, %dma_start3A_95] : memref<327680x64xbf16, #tpu.memory_space<hbm>> -> memref<128x64xbf16, #tpu.memory_space<hbm>>
      %dma_start3A_97 = arith.constant 0 : i32
      %dma_start3A_98 = tpu.memref_slice %arg4[%multiple_of3A_94, %dma_start3A_97] : memref<327680x64xbf16, #tpu.memory_space<hbm>> -> memref<128x64xbf16, #tpu.memory_space<hbm>>
      tpu.enqueue_dma source(%arg7 : memref<128x64xbf16, #tpu.memory_space<vmem>>) target(%dma_start3A_98 : memref<128x64xbf16, #tpu.memory_space<hbm>>) target_semaphore(%arg15 : memref<!tpu.dma_semaphore, #tpu.memory_space<semaphore_mem>>)
      %add3A_99 = arith.constant 4 : i32
      %add3A_100 = arith.addi %add3A_83, %add3A_99 : i32
      %lt3A_101 = arith.constant 80 : i32
      %lt3A_102 = arith.cmpi slt, %add3A_100, %lt3A_101 : i32
      %convert_element_type3A_103 = arith.extui %lt3A_102 : i1 to i32
      %cond3A_104 = arith.constant 0 : i32
      %cond3A_105 = arith.cmpi ne, %convert_element_type3A_103, %cond3A_104 : i32
      scf.if %cond3A_105 {
        %mul3A_154 = arith.constant 128 : i32
        %mul3A_155 = arith.muli %add3A_83, %mul3A_154 : i32
        %add3A_156 = arith.addi %multiple_of3A, %mul3A_155 : i32
        %multiple_of3A_157 = tpu.assume_multiple %add3A_156, 128 : i32
        %dma_wait3A_158 = arith.constant 0 : i32
        %dma_wait3A_159 = tpu.memref_slice %arg4[%multiple_of3A_157, %dma_wait3A_158] : memref<327680x64xbf16, #tpu.memory_space<hbm>> -> memref<128x64xbf16, #tpu.memory_space<hbm>>
        %dma_wait3A_160 = arith.constant 0 : i32
        %dma_wait3A_161 = tpu.memref_slice %arg4[%multiple_of3A_157, %dma_wait3A_160] : memref<327680x64xbf16, #tpu.memory_space<hbm>> -> memref<128x64xbf16, #tpu.memory_space<hbm>>
        tpu.wait_dma2 semaphore(%arg15 : memref<!tpu.dma_semaphore, #tpu.memory_space<semaphore_mem>>) src(%arg7 : memref<128x64xbf16, #tpu.memory_space<vmem>>) dst(%dma_wait3A_161 : memref<128x64xbf16, #tpu.memory_space<hbm>>)
        %add3A_162 = arith.constant 4 : i32
        %add3A_163 = arith.addi %add3A_83, %add3A_162 : i32
        %mul3A_164 = arith.constant 128 : i32
        %mul3A_165 = arith.muli %add3A_163, %mul3A_164 : i32
        %multiple_of3A_166 = tpu.assume_multiple %mul3A_165, 128 : i32
        %dma_start3A_167 = tpu.memref_slice %arg5[%multiple_of3A_166] : memref<10240xi32, #tpu.memory_space<vmem>> -> memref<128xi32, #tpu.memory_space<vmem>>
        %dma_start3A_168 = arith.constant 0 : i32
        %dma_start3A_169 = arith.constant 0 : i32
        %dma_start3A_170 = tpu.memref_slice %arg2[%dma_start3A_168, %dma_start3A_169] : memref<16384x64xbf16, #tpu.memory_space<hbm>> -> memref<16384x64xbf16, #tpu.memory_space<hbm>>
        tpu.enqueue_indirect_dma source(%dma_start3A_170 : memref<16384x64xbf16, #tpu.memory_space<hbm>>) target(%arg7 : memref<128x64xbf16, #tpu.memory_space<vmem>>) offsets(%dma_start3A_167 : memref<128xi32, #tpu.memory_space<vmem>>) semaphore(%arg11 : memref<!tpu.dma_semaphore, #tpu.memory_space<semaphore_mem>>)
      } else {
      }
      %add3A_106 = arith.constant 2 : i32
      %add3A_107 = arith.addi %mul3A_60, %add3A_106 : i32
      %mul3A_108 = arith.constant 128 : i32
      %mul3A_109 = arith.muli %add3A_107, %mul3A_108 : i32
      %multiple_of3A_110 = tpu.assume_multiple %mul3A_109, 128 : i32
      %dma_wait3A_111 = tpu.memref_slice %arg5[%multiple_of3A_110] : memref<10240xi32, #tpu.memory_space<vmem>> -> memref<128xi32, #tpu.memory_space<vmem>>
      %dma_wait3A_112 = arith.constant 0 : i32
      %dma_wait3A_113 = arith.constant 0 : i32
      %dma_wait3A_114 = tpu.memref_slice %arg2[%dma_wait3A_112, %dma_wait3A_113] : memref<16384x64xbf16, #tpu.memory_space<hbm>> -> memref<16384x64xbf16, #tpu.memory_space<hbm>>
      tpu.wait_indirect_dma semaphore(%arg12 : memref<!tpu.dma_semaphore, #tpu.memory_space<semaphore_mem>>) src(%dma_wait3A_114 : memref<16384x64xbf16, #tpu.memory_space<hbm>>) dst(%arg8 : memref<128x64xbf16, #tpu.memory_space<vmem>>)
      %mul3A_115 = arith.constant 128 : i32
      %mul3A_116 = arith.muli %add3A_107, %mul3A_115 : i32
      %add3A_117 = arith.addi %multiple_of3A, %mul3A_116 : i32
      %multiple_of3A_118 = tpu.assume_multiple %add3A_117, 128 : i32
      %dma_start3A_119 = arith.constant 0 : i32
      %dma_start3A_120 = tpu.memref_slice %arg4[%multiple_of3A_118, %dma_start3A_119] : memref<327680x64xbf16, #tpu.memory_space<hbm>> -> memref<128x64xbf16, #tpu.memory_space<hbm>>
      %dma_start3A_121 = arith.constant 0 : i32
      %dma_start3A_122 = tpu.memref_slice %arg4[%multiple_of3A_118, %dma_start3A_121] : memref<327680x64xbf16, #tpu.memory_space<hbm>> -> memref<128x64xbf16, #tpu.memory_space<hbm>>
      tpu.enqueue_dma source(%arg8 : memref<128x64xbf16, #tpu.memory_space<vmem>>) target(%dma_start3A_122 : memref<128x64xbf16, #tpu.memory_space<hbm>>) target_semaphore(%arg16 : memref<!tpu.dma_semaphore, #tpu.memory_space<semaphore_mem>>)
      %add3A_123 = arith.constant 4 : i32
      %add3A_124 = arith.addi %add3A_107, %add3A_123 : i32
      %lt3A_125 = arith.constant 80 : i32
      %lt3A_126 = arith.cmpi slt, %add3A_124, %lt3A_125 : i32
      %convert_element_type3A_127 = arith.extui %lt3A_126 : i1 to i32
      %cond3A_128 = arith.constant 0 : i32
      %cond3A_129 = arith.cmpi ne, %convert_element_type3A_127, %cond3A_128 : i32
      scf.if %cond3A_129 {
        %mul3A_154 = arith.constant 128 : i32
        %mul3A_155 = arith.muli %add3A_107, %mul3A_154 : i32
        %add3A_156 = arith.addi %multiple_of3A, %mul3A_155 : i32
        %multiple_of3A_157 = tpu.assume_multiple %add3A_156, 128 : i32
        %dma_wait3A_158 = arith.constant 0 : i32
        %dma_wait3A_159 = tpu.memref_slice %arg4[%multiple_of3A_157, %dma_wait3A_158] : memref<327680x64xbf16, #tpu.memory_space<hbm>> -> memref<128x64xbf16, #tpu.memory_space<hbm>>
        %dma_wait3A_160 = arith.constant 0 : i32
        %dma_wait3A_161 = tpu.memref_slice %arg4[%multiple_of3A_157, %dma_wait3A_160] : memref<327680x64xbf16, #tpu.memory_space<hbm>> -> memref<128x64xbf16, #tpu.memory_space<hbm>>
        tpu.wait_dma2 semaphore(%arg16 : memref<!tpu.dma_semaphore, #tpu.memory_space<semaphore_mem>>) src(%arg8 : memref<128x64xbf16, #tpu.memory_space<vmem>>) dst(%dma_wait3A_161 : memref<128x64xbf16, #tpu.memory_space<hbm>>)
        %add3A_162 = arith.constant 4 : i32
        %add3A_163 = arith.addi %add3A_107, %add3A_162 : i32
        %mul3A_164 = arith.constant 128 : i32
        %mul3A_165 = arith.muli %add3A_163, %mul3A_164 : i32
        %multiple_of3A_166 = tpu.assume_multiple %mul3A_165, 128 : i32
        %dma_start3A_167 = tpu.memref_slice %arg5[%multiple_of3A_166] : memref<10240xi32, #tpu.memory_space<vmem>> -> memref<128xi32, #tpu.memory_space<vmem>>
        %dma_start3A_168 = arith.constant 0 : i32
        %dma_start3A_169 = arith.constant 0 : i32
        %dma_start3A_170 = tpu.memref_slice %arg2[%dma_start3A_168, %dma_start3A_169] : memref<16384x64xbf16, #tpu.memory_space<hbm>> -> memref<16384x64xbf16, #tpu.memory_space<hbm>>
        tpu.enqueue_indirect_dma source(%dma_start3A_170 : memref<16384x64xbf16, #tpu.memory_space<hbm>>) target(%arg8 : memref<128x64xbf16, #tpu.memory_space<vmem>>) offsets(%dma_start3A_167 : memref<128xi32, #tpu.memory_space<vmem>>) semaphore(%arg12 : memref<!tpu.dma_semaphore, #tpu.memory_space<semaphore_mem>>)
      } else {
      }
      %add3A_130 = arith.constant 3 : i32
      %add3A_131 = arith.addi %mul3A_60, %add3A_130 : i32
      %mul3A_132 = arith.constant 128 : i32
      %mul3A_133 = arith.muli %add3A_131, %mul3A_132 : i32
      %multiple_of3A_134 = tpu.assume_multiple %mul3A_133, 128 : i32
      %dma_wait3A_135 = tpu.memref_slice %arg5[%multiple_of3A_134] : memref<10240xi32, #tpu.memory_space<vmem>> -> memref<128xi32, #tpu.memory_space<vmem>>
      %dma_wait3A_136 = arith.constant 0 : i32
      %dma_wait3A_137 = arith.constant 0 : i32
      %dma_wait3A_138 = tpu.memref_slice %arg2[%dma_wait3A_136, %dma_wait3A_137] : memref<16384x64xbf16, #tpu.memory_space<hbm>> -> memref<16384x64xbf16, #tpu.memory_space<hbm>>
      tpu.wait_indirect_dma semaphore(%arg13 : memref<!tpu.dma_semaphore, #tpu.memory_space<semaphore_mem>>) src(%dma_wait3A_138 : memref<16384x64xbf16, #tpu.memory_space<hbm>>) dst(%arg9 : memref<128x64xbf16, #tpu.memory_space<vmem>>)
      %mul3A_139 = arith.constant 128 : i32
      %mul3A_140 = arith.muli %add3A_131, %mul3A_139 : i32
      %add3A_141 = arith.addi %multiple_of3A, %mul3A_140 : i32
      %multiple_of3A_142 = tpu.assume_multiple %add3A_141, 128 : i32
      %dma_start3A_143 = arith.constant 0 : i32
      %dma_start3A_144 = tpu.memref_slice %arg4[%multiple_of3A_142, %dma_start3A_143] : memref<327680x64xbf16, #tpu.memory_space<hbm>> -> memref<128x64xbf16, #tpu.memory_space<hbm>>
      %dma_start3A_145 = arith.constant 0 : i32
      %dma_start3A_146 = tpu.memref_slice %arg4[%multiple_of3A_142, %dma_start3A_145] : memref<327680x64xbf16, #tpu.memory_space<hbm>> -> memref<128x64xbf16, #tpu.memory_space<hbm>>
      tpu.enqueue_dma source(%arg9 : memref<128x64xbf16, #tpu.memory_space<vmem>>) target(%dma_start3A_146 : memref<128x64xbf16, #tpu.memory_space<hbm>>) target_semaphore(%arg17 : memref<!tpu.dma_semaphore, #tpu.memory_space<semaphore_mem>>)
      %add3A_147 = arith.constant 4 : i32
      %add3A_148 = arith.addi %add3A_131, %add3A_147 : i32
      %lt3A_149 = arith.constant 80 : i32
      %lt3A_150 = arith.cmpi slt, %add3A_148, %lt3A_149 : i32
      %convert_element_type3A_151 = arith.extui %lt3A_150 : i1 to i32
      %cond3A_152 = arith.constant 0 : i32
      %cond3A_153 = arith.cmpi ne, %convert_element_type3A_151, %cond3A_152 : i32
      scf.if %cond3A_153 {
        %mul3A_154 = arith.constant 128 : i32
        %mul3A_155 = arith.muli %add3A_131, %mul3A_154 : i32
        %add3A_156 = arith.addi %multiple_of3A, %mul3A_155 : i32
        %multiple_of3A_157 = tpu.assume_multiple %add3A_156, 128 : i32
        %dma_wait3A_158 = arith.constant 0 : i32
        %dma_wait3A_159 = tpu.memref_slice %arg4[%multiple_of3A_157, %dma_wait3A_158] : memref<327680x64xbf16, #tpu.memory_space<hbm>> -> memref<128x64xbf16, #tpu.memory_space<hbm>>
        %dma_wait3A_160 = arith.constant 0 : i32
        %dma_wait3A_161 = tpu.memref_slice %arg4[%multiple_of3A_157, %dma_wait3A_160] : memref<327680x64xbf16, #tpu.memory_space<hbm>> -> memref<128x64xbf16, #tpu.memory_space<hbm>>
        tpu.wait_dma2 semaphore(%arg17 : memref<!tpu.dma_semaphore, #tpu.memory_space<semaphore_mem>>) src(%arg9 : memref<128x64xbf16, #tpu.memory_space<vmem>>) dst(%dma_wait3A_161 : memref<128x64xbf16, #tpu.memory_space<hbm>>)
        %add3A_162 = arith.constant 4 : i32
        %add3A_163 = arith.addi %add3A_131, %add3A_162 : i32
        %mul3A_164 = arith.constant 128 : i32
        %mul3A_165 = arith.muli %add3A_163, %mul3A_164 : i32
        %multiple_of3A_166 = tpu.assume_multiple %mul3A_165, 128 : i32
        %dma_start3A_167 = tpu.memref_slice %arg5[%multiple_of3A_166] : memref<10240xi32, #tpu.memory_space<vmem>> -> memref<128xi32, #tpu.memory_space<vmem>>
        %dma_start3A_168 = arith.constant 0 : i32
        %dma_start3A_169 = arith.constant 0 : i32
        %dma_start3A_170 = tpu.memref_slice %arg2[%dma_start3A_168, %dma_start3A_169] : memref<16384x64xbf16, #tpu.memory_space<hbm>> -> memref<16384x64xbf16, #tpu.memory_space<hbm>>
        tpu.enqueue_indirect_dma source(%dma_start3A_170 : memref<16384x64xbf16, #tpu.memory_space<hbm>>) target(%arg9 : memref<128x64xbf16, #tpu.memory_space<vmem>>) offsets(%dma_start3A_167 : memref<128xi32, #tpu.memory_space<vmem>>) semaphore(%arg13 : memref<!tpu.dma_semaphore, #tpu.memory_space<semaphore_mem>>)
      } else {
      }
    }
    %scan3A_30 = arith.constant 20 : i32
    %add3A_31 = arith.constant 9728 : i32
    %add3A_32 = arith.addi %multiple_of3A, %add3A_31 : i32
    %multiple_of3A_33 = tpu.assume_multiple %add3A_32, 128 : i32
    %dma_wait3A = arith.constant 0 : i32
    %dma_wait3A_34 = tpu.memref_slice %arg4[%multiple_of3A_33, %dma_wait3A] : memref<327680x64xbf16, #tpu.memory_space<hbm>> -> memref<128x64xbf16, #tpu.memory_space<hbm>>
    %dma_wait3A_35 = arith.constant 0 : i32
    %dma_wait3A_36 = tpu.memref_slice %arg4[%multiple_of3A_33, %dma_wait3A_35] : memref<327680x64xbf16, #tpu.memory_space<hbm>> -> memref<128x64xbf16, #tpu.memory_space<hbm>>
    tpu.wait_dma2 semaphore(%arg14 : memref<!tpu.dma_semaphore, #tpu.memory_space<semaphore_mem>>) src(%arg6 : memref<128x64xbf16, #tpu.memory_space<vmem>>) dst(%dma_wait3A_36 : memref<128x64xbf16, #tpu.memory_space<hbm>>)
    %add3A_37 = arith.constant 9856 : i32
    %add3A_38 = arith.addi %multiple_of3A, %add3A_37 : i32
    %multiple_of3A_39 = tpu.assume_multiple %add3A_38, 128 : i32
    %dma_wait3A_40 = arith.constant 0 : i32
    %dma_wait3A_41 = tpu.memref_slice %arg4[%multiple_of3A_39, %dma_wait3A_40] : memref<327680x64xbf16, #tpu.memory_space<hbm>> -> memref<128x64xbf16, #tpu.memory_space<hbm>>
    %dma_wait3A_42 = arith.constant 0 : i32
    %dma_wait3A_43 = tpu.memref_slice %arg4[%multiple_of3A_39, %dma_wait3A_42] : memref<327680x64xbf16, #tpu.memory_space<hbm>> -> memref<128x64xbf16, #tpu.memory_space<hbm>>
    tpu.wait_dma2 semaphore(%arg15 : memref<!tpu.dma_semaphore, #tpu.memory_space<semaphore_mem>>) src(%arg7 : memref<128x64xbf16, #tpu.memory_space<vmem>>) dst(%dma_wait3A_43 : memref<128x64xbf16, #tpu.memory_space<hbm>>)
    %add3A_44 = arith.constant 9984 : i32
    %add3A_45 = arith.addi %multiple_of3A, %add3A_44 : i32
    %multiple_of3A_46 = tpu.assume_multiple %add3A_45, 128 : i32
    %dma_wait3A_47 = arith.constant 0 : i32
    %dma_wait3A_48 = tpu.memref_slice %arg4[%multiple_of3A_46, %dma_wait3A_47] : memref<327680x64xbf16, #tpu.memory_space<hbm>> -> memref<128x64xbf16, #tpu.memory_space<hbm>>
    %dma_wait3A_49 = arith.constant 0 : i32
    %dma_wait3A_50 = tpu.memref_slice %arg4[%multiple_of3A_46, %dma_wait3A_49] : memref<327680x64xbf16, #tpu.memory_space<hbm>> -> memref<128x64xbf16, #tpu.memory_space<hbm>>
    tpu.wait_dma2 semaphore(%arg16 : memref<!tpu.dma_semaphore, #tpu.memory_space<semaphore_mem>>) src(%arg8 : memref<128x64xbf16, #tpu.memory_space<vmem>>) dst(%dma_wait3A_50 : memref<128x64xbf16, #tpu.memory_space<hbm>>)
    %add3A_51 = arith.constant 10112 : i32
    %add3A_52 = arith.addi %multiple_of3A, %add3A_51 : i32
    %multiple_of3A_53 = tpu.assume_multiple %add3A_52, 128 : i32
    %dma_wait3A_54 = arith.constant 0 : i32
    %dma_wait3A_55 = tpu.memref_slice %arg4[%multiple_of3A_53, %dma_wait3A_54] : memref<327680x64xbf16, #tpu.memory_space<hbm>> -> memref<128x64xbf16, #tpu.memory_space<hbm>>
    %dma_wait3A_56 = arith.constant 0 : i32
    %dma_wait3A_57 = tpu.memref_slice %arg4[%multiple_of3A_53, %dma_wait3A_56] : memref<327680x64xbf16, #tpu.memory_space<hbm>> -> memref<128x64xbf16, #tpu.memory_space<hbm>>
    tpu.wait_dma2 semaphore(%arg17 : memref<!tpu.dma_semaphore, #tpu.memory_space<semaphore_mem>>) src(%arg9 : memref<128x64xbf16, #tpu.memory_space<vmem>>) dst(%dma_wait3A_57 : memref<128x64xbf16, #tpu.memory_space<hbm>>)
    return
  }
}

module attributes {stable_mosaic.version = 14 : i64} {
  func.func @_topk_kernel(%arg0: i32, %arg1: i32, %arg2: memref<1x256x64xf32, #tpu.memory_space<vmem>>, %arg3: memref<1x64x2048xf32, #tpu.memory_space<vmem>>, %arg4: memref<64x64xf32, #tpu.memory_space<vmem>>, %arg5: memref<64x64xf32, #tpu.memory_space<vmem>>, %arg6: memref<1x64xf32, #tpu.memory_space<vmem>>, %arg7: memref<1x256x20xi32, #tpu.memory_space<vmem>>, %arg8: memref<1x256x20xf32, #tpu.memory_space<vmem>>, %arg9: memref<1x256x64xf32, #tpu.memory_space<vmem>>, %arg10: memref<1x256x64xf32, #tpu.memory_space<vmem>>, %arg11: memref<1x2048xf32, #tpu.memory_space<vmem>>) attributes {dimension_semantics = [#tpu.dimension_semantics<arbitrary>, #tpu.dimension_semantics<arbitrary>], iteration_bounds = array<i64: 8, 8>, scalar_prefetch = 0 : i64, scratch_operands = 1 : i64, tpu.core_type = #tpu.core_type<tc>, window_params = [{transform_indices = @transform_0, window_bounds = array<i64: 1, 256, 64>}, {transform_indices = @transform_1, window_bounds = array<i64: 1, 64, 2048>}, {pipeline_mode = #tpu.pipeline_mode<synchronous>, transform_indices = @transform_2, window_bounds = array<i64: 64, 64>}, {pipeline_mode = #tpu.pipeline_mode<synchronous>, transform_indices = @transform_3, window_bounds = array<i64: 64, 64>}, {pipeline_mode = #tpu.pipeline_mode<synchronous>, transform_indices = @transform_4, window_bounds = array<i64: 1, 64>}, {transform_indices = @transform_5, window_bounds = array<i64: 1, 256, 20>}, {transform_indices = @transform_6, window_bounds = array<i64: 1, 256, 20>}, {transform_indices = @transform_7, window_bounds = array<i64: 1, 256, 64>}, {transform_indices = @transform_8, window_bounds = array<i64: 1, 256, 64>}]} {
    %get3A = arith.constant 0 : index
    %get3A_0 = arith.constant 0 : index
    %get3A_1 = arith.constant 0 : index
    %get3A_2 = vector.load %arg2[%get3A, %get3A_0, %get3A_1] : memref<1x256x64xf32, #tpu.memory_space<vmem>>, vector<1x256x64xf32>
    %get3A_3 = vector.shape_cast %get3A_2 : vector<1x256x64xf32> to vector<256x64xf32>
    %get3A_4 = arith.constant 0 : index
    %get3A_5 = arith.constant 0 : index
    %get3A_6 = arith.constant 0 : index
    %get3A_7 = vector.load %arg3[%get3A_4, %get3A_5, %get3A_6] : memref<1x64x2048xf32, #tpu.memory_space<vmem>>, vector<1x64x2048xf32>
    %get3A_8 = vector.shape_cast %get3A_7 : vector<1x64x2048xf32> to vector<64x2048xf32>
    %eq3A = arith.constant 0 : i32
    %eq3A_9 = arith.cmpi eq, %arg1, %eq3A : i32
    %convert_element_type3A = arith.extui %eq3A_9 : i1 to i32
    %cond3A = arith.constant 0 : i32
    %cond3A_10 = arith.cmpi ne, %convert_element_type3A, %cond3A : i32
    scf.if %cond3A_10 {
      %mul3A_688 = arith.mulf %get3A_8, %get3A_8 : vector<64x2048xf32>
      %reduce_sum3A_689 = arith.constant dense<0.000000e+00> : vector<2048xf32>
      %reduce_sum3A_690 = vector.multi_reduction <add>, %mul3A_688, %reduce_sum3A_689 [0] : vector<64x2048xf32> to vector<2048xf32>
      %broadcast_in_dim3A_691 = vector.shape_cast %reduce_sum3A_690 : vector<2048xf32> to vector<1x2048xf32>
      %swap3A_692 = arith.constant 0 : index
      %swap3A_693 = arith.constant 0 : index
      %swap3A_694 = vector.load %arg11[%swap3A_692, %swap3A_693] : memref<1x2048xf32, #tpu.memory_space<vmem>>, vector<1x2048xf32>
      tpu.vector_store %arg11[%swap3A_692, %swap3A_693], %broadcast_in_dim3A_691 {strides = array<i32>} : memref<1x2048xf32, #tpu.memory_space<vmem>>, vector<1x2048xf32>,
    } else {
    }
    %mul3A = arith.mulf %get3A_3, %get3A_3 : vector<256x64xf32>
    %reduce_sum3A = arith.constant dense<0.000000e+00> : vector<256xf32>
    %reduce_sum3A_11 = vector.multi_reduction <add>, %mul3A, %reduce_sum3A [1] : vector<256x64xf32> to vector<256xf32>
    %broadcast_in_dim3A = vector.shape_cast %reduce_sum3A_11 : vector<256xf32> to vector<256x1xf32>
    %get3A_12 = arith.constant 0 : index
    %get3A_13 = arith.constant 0 : index
    %get3A_14 = vector.load %arg11[%get3A_12, %get3A_13] : memref<1x2048xf32, #tpu.memory_space<vmem>>, vector<1x2048xf32>
    %dot_general3A = arith.constant dense<0.000000e+00> : vector<256x2048xf32>
    %dot_general3A_15 = tpu.matmul %get3A_3, %get3A_8, %dot_general3A {dimension_numbers = #tpu.dot_dimension_numbers<[1], [0], [0], [1], [0, 0, 1, 1], [], []>, precision = #tpu.contract_precision<fp32>, transpose_lhs_hint = false} : vector<256x64xf32>, vector<64x2048xf32>, vector<256x2048xf32> -> vector<256x2048xf32>
    %mul3A_16 = arith.constant -2.000000e+00 : f32
    %mul3A_17 = vector.broadcast %mul3A_16 : f32 to vector<256x2048xf32>
    %mul3A_18 = arith.mulf %mul3A_17, %dot_general3A_15 : vector<256x2048xf32>
    %add3A = vector.broadcast %broadcast_in_dim3A : vector<256x1xf32> to vector<256x2048xf32>
    %add3A_19 = arith.addf %mul3A_18, %add3A : vector<256x2048xf32>
    %add3A_20 = vector.broadcast %get3A_14 : vector<1x2048xf32> to vector<256x2048xf32>
    %add3A_21 = arith.addf %add3A_19, %add3A_20 : vector<256x2048xf32>
    %max3A = arith.constant 0.000000e+00 : f32
    %max3A_22 = vector.broadcast %max3A : f32 to vector<256x2048xf32>
    %max3A_23 = arith.maximumf %add3A_21, %max3A_22 : vector<256x2048xf32>
    %iota3A = tpu.iota {dimensions = array<i32: 1>} : vector<256x2048xi32>
    %mul3A_24 = arith.constant 2048 : i32
    %mul3A_25 = arith.muli %arg0, %mul3A_24 : i32
    %bitcast_convert_type3A = tpu.bitcast %max3A_23 : vector<256x2048xf32> -> vector<256x2048xi32>
    %and3A = arith.constant -2048 : i32
    %and3A_26 = vector.broadcast %and3A : i32 to vector<256x2048xi32>
    %and3A_27 = arith.andi %bitcast_convert_type3A, %and3A_26 : vector<256x2048xi32>
    %or3A = arith.ori %and3A_27, %iota3A : vector<256x2048xi32>
    %bitcast_convert_type3A_28 = tpu.bitcast %or3A : vector<256x2048xi32> -> vector<256x2048xf32>
    %reduce_min3A = arith.constant dense<0x7F800000> : vector<256xf32>
    %reduce_min3A_29 = vector.multi_reduction <minimumf>, %bitcast_convert_type3A_28, %reduce_min3A [1] : vector<256x2048xf32> to vector<256xf32>
    %broadcast_in_dim3A_30 = vector.shape_cast %reduce_min3A_29 : vector<256xf32> to vector<256x1xf32>
    %eq3A_31 = vector.broadcast %broadcast_in_dim3A_30 : vector<256x1xf32> to vector<256x2048xf32>
    %eq3A_32 = arith.cmpf oeq, %bitcast_convert_type3A_28, %eq3A_31 : vector<256x2048xf32>
    %jit3A = arith.constant 0x7F800000 : f32
    %broadcast_in_dim3A_33 = vector.broadcast %jit3A : f32 to vector<256x2048xf32>
    %select_n3A = arith.select %eq3A_32, %broadcast_in_dim3A_33, %bitcast_convert_type3A_28 : vector<256x2048xi1>, vector<256x2048xf32>
    %reduce_min3A_34 = arith.constant dense<0x7F800000> : vector<256xf32>
    %reduce_min3A_35 = vector.multi_reduction <minimumf>, %select_n3A, %reduce_min3A_34 [1] : vector<256x2048xf32> to vector<256xf32>
    %broadcast_in_dim3A_36 = vector.shape_cast %reduce_min3A_35 : vector<256xf32> to vector<256x1xf32>
    %bitcast_convert_type3A_37 = tpu.bitcast %broadcast_in_dim3A_36 : vector<256x1xf32> -> vector<256x1xi32>
    %and3A_38 = arith.constant 2047 : i32
    %and3A_39 = vector.broadcast %and3A_38 : i32 to vector<256x1xi32>
    %and3A_40 = arith.andi %bitcast_convert_type3A_37, %and3A_39 : vector<256x1xi32>
    %and3A_41 = arith.constant -2048 : i32
    %and3A_42 = vector.broadcast %and3A_41 : i32 to vector<256x1xi32>
    %and3A_43 = arith.andi %bitcast_convert_type3A_37, %and3A_42 : vector<256x1xi32>
    %bitcast_convert_type3A_44 = tpu.bitcast %and3A_43 : vector<256x1xi32> -> vector<256x1xf32>
    %logistic3A = arith.negf %bitcast_convert_type3A_44 : vector<256x1xf32>
    %logistic3A_45 = math.exp %logistic3A : vector<256x1xf32>
    %logistic3A_46 = arith.constant 1.000000e+00 : f32
    %logistic3A_47 = vector.broadcast %logistic3A_46 : f32 to vector<256x1xf32>
    %logistic3A_48 = arith.addf %logistic3A_47, %logistic3A_45 : vector<256x1xf32>
    %logistic3A_49 = arith.divf %logistic3A_47, %logistic3A_48 : vector<256x1xf32>
    %mul3A_50 = arith.constant 2.000000e+00 : f32
    %mul3A_51 = vector.broadcast %mul3A_50 : f32 to vector<256x1xf32>
    %mul3A_52 = arith.mulf %mul3A_51, %logistic3A_49 : vector<256x1xf32>
    %sub3A = arith.constant 1.000000e+00 : f32
    %sub3A_53 = vector.broadcast %sub3A : f32 to vector<256x1xf32>
    %sub3A_54 = arith.subf %mul3A_52, %sub3A_53 : vector<256x1xf32>
    %sub3A_55 = arith.constant 1.000000e+00 : f32
    %sub3A_56 = vector.broadcast %sub3A_55 : f32 to vector<256x1xf32>
    %sub3A_57 = arith.subf %sub3A_56, %sub3A_54 : vector<256x1xf32>
    %eq3A_58 = vector.broadcast %broadcast_in_dim3A_36 : vector<256x1xf32> to vector<256x2048xf32>
    %eq3A_59 = arith.cmpf oeq, %select_n3A, %eq3A_58 : vector<256x2048xf32>
    %jit3A_60 = arith.constant 0x7F800000 : f32
    %broadcast_in_dim3A_61 = vector.broadcast %jit3A_60 : f32 to vector<256x2048xf32>
    %select_n3A_62 = arith.select %eq3A_59, %broadcast_in_dim3A_61, %select_n3A : vector<256x2048xi1>, vector<256x2048xf32>
    %reduce_min3A_63 = arith.constant dense<0x7F800000> : vector<256xf32>
    %reduce_min3A_64 = vector.multi_reduction <minimumf>, %select_n3A_62, %reduce_min3A_63 [1] : vector<256x2048xf32> to vector<256xf32>
    %broadcast_in_dim3A_65 = vector.shape_cast %reduce_min3A_64 : vector<256xf32> to vector<256x1xf32>
    %bitcast_convert_type3A_66 = tpu.bitcast %broadcast_in_dim3A_65 : vector<256x1xf32> -> vector<256x1xi32>
    %and3A_67 = arith.constant 2047 : i32
    %and3A_68 = vector.broadcast %and3A_67 : i32 to vector<256x1xi32>
    %and3A_69 = arith.andi %bitcast_convert_type3A_66, %and3A_68 : vector<256x1xi32>
    %and3A_70 = arith.constant -2048 : i32
    %and3A_71 = vector.broadcast %and3A_70 : i32 to vector<256x1xi32>
    %and3A_72 = arith.andi %bitcast_convert_type3A_66, %and3A_71 : vector<256x1xi32>
    %bitcast_convert_type3A_73 = tpu.bitcast %and3A_72 : vector<256x1xi32> -> vector<256x1xf32>
    %logistic3A_74 = arith.negf %bitcast_convert_type3A_73 : vector<256x1xf32>
    %logistic3A_75 = math.exp %logistic3A_74 : vector<256x1xf32>
    %logistic3A_76 = arith.constant 1.000000e+00 : f32
    %logistic3A_77 = vector.broadcast %logistic3A_76 : f32 to vector<256x1xf32>
    %logistic3A_78 = arith.addf %logistic3A_77, %logistic3A_75 : vector<256x1xf32>
    %logistic3A_79 = arith.divf %logistic3A_77, %logistic3A_78 : vector<256x1xf32>
    %mul3A_80 = arith.constant 2.000000e+00 : f32
    %mul3A_81 = vector.broadcast %mul3A_80 : f32 to vector<256x1xf32>
    %mul3A_82 = arith.mulf %mul3A_81, %logistic3A_79 : vector<256x1xf32>
    %sub3A_83 = arith.constant 1.000000e+00 : f32
    %sub3A_84 = vector.broadcast %sub3A_83 : f32 to vector<256x1xf32>
    %sub3A_85 = arith.subf %mul3A_82, %sub3A_84 : vector<256x1xf32>
    %sub3A_86 = arith.constant 1.000000e+00 : f32
    %sub3A_87 = vector.broadcast %sub3A_86 : f32 to vector<256x1xf32>
    %sub3A_88 = arith.subf %sub3A_87, %sub3A_85 : vector<256x1xf32>
    %eq3A_89 = vector.broadcast %broadcast_in_dim3A_65 : vector<256x1xf32> to vector<256x2048xf32>
    %eq3A_90 = arith.cmpf oeq, %select_n3A_62, %eq3A_89 : vector<256x2048xf32>
    %jit3A_91 = arith.constant 0x7F800000 : f32
    %broadcast_in_dim3A_92 = vector.broadcast %jit3A_91 : f32 to vector<256x2048xf32>
    %select_n3A_93 = arith.select %eq3A_90, %broadcast_in_dim3A_92, %select_n3A_62 : vector<256x2048xi1>, vector<256x2048xf32>
    %reduce_min3A_94 = arith.constant dense<0x7F800000> : vector<256xf32>
    %reduce_min3A_95 = vector.multi_reduction <minimumf>, %select_n3A_93, %reduce_min3A_94 [1] : vector<256x2048xf32> to vector<256xf32>
    %broadcast_in_dim3A_96 = vector.shape_cast %reduce_min3A_95 : vector<256xf32> to vector<256x1xf32>
    %bitcast_convert_type3A_97 = tpu.bitcast %broadcast_in_dim3A_96 : vector<256x1xf32> -> vector<256x1xi32>
    %and3A_98 = arith.constant 2047 : i32
    %and3A_99 = vector.broadcast %and3A_98 : i32 to vector<256x1xi32>
    %and3A_100 = arith.andi %bitcast_convert_type3A_97, %and3A_99 : vector<256x1xi32>
    %and3A_101 = arith.constant -2048 : i32
    %and3A_102 = vector.broadcast %and3A_101 : i32 to vector<256x1xi32>
    %and3A_103 = arith.andi %bitcast_convert_type3A_97, %and3A_102 : vector<256x1xi32>
    %bitcast_convert_type3A_104 = tpu.bitcast %and3A_103 : vector<256x1xi32> -> vector<256x1xf32>
    %logistic3A_105 = arith.negf %bitcast_convert_type3A_104 : vector<256x1xf32>
    %logistic3A_106 = math.exp %logistic3A_105 : vector<256x1xf32>
    %logistic3A_107 = arith.constant 1.000000e+00 : f32
    %logistic3A_108 = vector.broadcast %logistic3A_107 : f32 to vector<256x1xf32>
    %logistic3A_109 = arith.addf %logistic3A_108, %logistic3A_106 : vector<256x1xf32>
    %logistic3A_110 = arith.divf %logistic3A_108, %logistic3A_109 : vector<256x1xf32>
    %mul3A_111 = arith.constant 2.000000e+00 : f32
    %mul3A_112 = vector.broadcast %mul3A_111 : f32 to vector<256x1xf32>
    %mul3A_113 = arith.mulf %mul3A_112, %logistic3A_110 : vector<256x1xf32>
    %sub3A_114 = arith.constant 1.000000e+00 : f32
    %sub3A_115 = vector.broadcast %sub3A_114 : f32 to vector<256x1xf32>
    %sub3A_116 = arith.subf %mul3A_113, %sub3A_115 : vector<256x1xf32>
    %sub3A_117 = arith.constant 1.000000e+00 : f32
    %sub3A_118 = vector.broadcast %sub3A_117 : f32 to vector<256x1xf32>
    %sub3A_119 = arith.subf %sub3A_118, %sub3A_116 : vector<256x1xf32>
    %eq3A_120 = vector.broadcast %broadcast_in_dim3A_96 : vector<256x1xf32> to vector<256x2048xf32>
    %eq3A_121 = arith.cmpf oeq, %select_n3A_93, %eq3A_120 : vector<256x2048xf32>
    %jit3A_122 = arith.constant 0x7F800000 : f32
    %broadcast_in_dim3A_123 = vector.broadcast %jit3A_122 : f32 to vector<256x2048xf32>
    %select_n3A_124 = arith.select %eq3A_121, %broadcast_in_dim3A_123, %select_n3A_93 : vector<256x2048xi1>, vector<256x2048xf32>
    %reduce_min3A_125 = arith.constant dense<0x7F800000> : vector<256xf32>
    %reduce_min3A_126 = vector.multi_reduction <minimumf>, %select_n3A_124, %reduce_min3A_125 [1] : vector<256x2048xf32> to vector<256xf32>
    %broadcast_in_dim3A_127 = vector.shape_cast %reduce_min3A_126 : vector<256xf32> to vector<256x1xf32>
    %bitcast_convert_type3A_128 = tpu.bitcast %broadcast_in_dim3A_127 : vector<256x1xf32> -> vector<256x1xi32>
    %and3A_129 = arith.constant 2047 : i32
    %and3A_130 = vector.broadcast %and3A_129 : i32 to vector<256x1xi32>
    %and3A_131 = arith.andi %bitcast_convert_type3A_128, %and3A_130 : vector<256x1xi32>
    %and3A_132 = arith.constant -2048 : i32
    %and3A_133 = vector.broadcast %and3A_132 : i32 to vector<256x1xi32>
    %and3A_134 = arith.andi %bitcast_convert_type3A_128, %and3A_133 : vector<256x1xi32>
    %bitcast_convert_type3A_135 = tpu.bitcast %and3A_134 : vector<256x1xi32> -> vector<256x1xf32>
    %logistic3A_136 = arith.negf %bitcast_convert_type3A_135 : vector<256x1xf32>
    %logistic3A_137 = math.exp %logistic3A_136 : vector<256x1xf32>
    %logistic3A_138 = arith.constant 1.000000e+00 : f32
    %logistic3A_139 = vector.broadcast %logistic3A_138 : f32 to vector<256x1xf32>
    %logistic3A_140 = arith.addf %logistic3A_139, %logistic3A_137 : vector<256x1xf32>
    %logistic3A_141 = arith.divf %logistic3A_139, %logistic3A_140 : vector<256x1xf32>
    %mul3A_142 = arith.constant 2.000000e+00 : f32
    %mul3A_143 = vector.broadcast %mul3A_142 : f32 to vector<256x1xf32>
    %mul3A_144 = arith.mulf %mul3A_143, %logistic3A_141 : vector<256x1xf32>
    %sub3A_145 = arith.constant 1.000000e+00 : f32
    %sub3A_146 = vector.broadcast %sub3A_145 : f32 to vector<256x1xf32>
    %sub3A_147 = arith.subf %mul3A_144, %sub3A_146 : vector<256x1xf32>
    %sub3A_148 = arith.constant 1.000000e+00 : f32
    %sub3A_149 = vector.broadcast %sub3A_148 : f32 to vector<256x1xf32>
    %sub3A_150 = arith.subf %sub3A_149, %sub3A_147 : vector<256x1xf32>
    %eq3A_151 = vector.broadcast %broadcast_in_dim3A_127 : vector<256x1xf32> to vector<256x2048xf32>
    %eq3A_152 = arith.cmpf oeq, %select_n3A_124, %eq3A_151 : vector<256x2048xf32>
    %jit3A_153 = arith.constant 0x7F800000 : f32
    %broadcast_in_dim3A_154 = vector.broadcast %jit3A_153 : f32 to vector<256x2048xf32>
    %select_n3A_155 = arith.select %eq3A_152, %broadcast_in_dim3A_154, %select_n3A_124 : vector<256x2048xi1>, vector<256x2048xf32>
    %reduce_min3A_156 = arith.constant dense<0x7F800000> : vector<256xf32>
    %reduce_min3A_157 = vector.multi_reduction <minimumf>, %select_n3A_155, %reduce_min3A_156 [1] : vector<256x2048xf32> to vector<256xf32>
    %broadcast_in_dim3A_158 = vector.shape_cast %reduce_min3A_157 : vector<256xf32> to vector<256x1xf32>
    %bitcast_convert_type3A_159 = tpu.bitcast %broadcast_in_dim3A_158 : vector<256x1xf32> -> vector<256x1xi32>
    %and3A_160 = arith.constant 2047 : i32
    %and3A_161 = vector.broadcast %and3A_160 : i32 to vector<256x1xi32>
    %and3A_162 = arith.andi %bitcast_convert_type3A_159, %and3A_161 : vector<256x1xi32>
    %and3A_163 = arith.constant -2048 : i32
    %and3A_164 = vector.broadcast %and3A_163 : i32 to vector<256x1xi32>
    %and3A_165 = arith.andi %bitcast_convert_type3A_159, %and3A_164 : vector<256x1xi32>
    %bitcast_convert_type3A_166 = tpu.bitcast %and3A_165 : vector<256x1xi32> -> vector<256x1xf32>
    %logistic3A_167 = arith.negf %bitcast_convert_type3A_166 : vector<256x1xf32>
    %logistic3A_168 = math.exp %logistic3A_167 : vector<256x1xf32>
    %logistic3A_169 = arith.constant 1.000000e+00 : f32
    %logistic3A_170 = vector.broadcast %logistic3A_169 : f32 to vector<256x1xf32>
    %logistic3A_171 = arith.addf %logistic3A_170, %logistic3A_168 : vector<256x1xf32>
    %logistic3A_172 = arith.divf %logistic3A_170, %logistic3A_171 : vector<256x1xf32>
    %mul3A_173 = arith.constant 2.000000e+00 : f32
    %mul3A_174 = vector.broadcast %mul3A_173 : f32 to vector<256x1xf32>
    %mul3A_175 = arith.mulf %mul3A_174, %logistic3A_172 : vector<256x1xf32>
    %sub3A_176 = arith.constant 1.000000e+00 : f32
    %sub3A_177 = vector.broadcast %sub3A_176 : f32 to vector<256x1xf32>
    %sub3A_178 = arith.subf %mul3A_175, %sub3A_177 : vector<256x1xf32>
    %sub3A_179 = arith.constant 1.000000e+00 : f32
    %sub3A_180 = vector.broadcast %sub3A_179 : f32 to vector<256x1xf32>
    %sub3A_181 = arith.subf %sub3A_180, %sub3A_178 : vector<256x1xf32>
    %eq3A_182 = vector.broadcast %broadcast_in_dim3A_158 : vector<256x1xf32> to vector<256x2048xf32>
    %eq3A_183 = arith.cmpf oeq, %select_n3A_155, %eq3A_182 : vector<256x2048xf32>
    %jit3A_184 = arith.constant 0x7F800000 : f32
    %broadcast_in_dim3A_185 = vector.broadcast %jit3A_184 : f32 to vector<256x2048xf32>
    %select_n3A_186 = arith.select %eq3A_183, %broadcast_in_dim3A_185, %select_n3A_155 : vector<256x2048xi1>, vector<256x2048xf32>
    %reduce_min3A_187 = arith.constant dense<0x7F800000> : vector<256xf32>
    %reduce_min3A_188 = vector.multi_reduction <minimumf>, %select_n3A_186, %reduce_min3A_187 [1] : vector<256x2048xf32> to vector<256xf32>
    %broadcast_in_dim3A_189 = vector.shape_cast %reduce_min3A_188 : vector<256xf32> to vector<256x1xf32>
    %bitcast_convert_type3A_190 = tpu.bitcast %broadcast_in_dim3A_189 : vector<256x1xf32> -> vector<256x1xi32>
    %and3A_191 = arith.constant 2047 : i32
    %and3A_192 = vector.broadcast %and3A_191 : i32 to vector<256x1xi32>
    %and3A_193 = arith.andi %bitcast_convert_type3A_190, %and3A_192 : vector<256x1xi32>
    %and3A_194 = arith.constant -2048 : i32
    %and3A_195 = vector.broadcast %and3A_194 : i32 to vector<256x1xi32>
    %and3A_196 = arith.andi %bitcast_convert_type3A_190, %and3A_195 : vector<256x1xi32>
    %bitcast_convert_type3A_197 = tpu.bitcast %and3A_196 : vector<256x1xi32> -> vector<256x1xf32>
    %logistic3A_198 = arith.negf %bitcast_convert_type3A_197 : vector<256x1xf32>
    %logistic3A_199 = math.exp %logistic3A_198 : vector<256x1xf32>
    %logistic3A_200 = arith.constant 1.000000e+00 : f32
    %logistic3A_201 = vector.broadcast %logistic3A_200 : f32 to vector<256x1xf32>
    %logistic3A_202 = arith.addf %logistic3A_201, %logistic3A_199 : vector<256x1xf32>
    %logistic3A_203 = arith.divf %logistic3A_201, %logistic3A_202 : vector<256x1xf32>
    %mul3A_204 = arith.constant 2.000000e+00 : f32
    %mul3A_205 = vector.broadcast %mul3A_204 : f32 to vector<256x1xf32>
    %mul3A_206 = arith.mulf %mul3A_205, %logistic3A_203 : vector<256x1xf32>
    %sub3A_207 = arith.constant 1.000000e+00 : f32
    %sub3A_208 = vector.broadcast %sub3A_207 : f32 to vector<256x1xf32>
    %sub3A_209 = arith.subf %mul3A_206, %sub3A_208 : vector<256x1xf32>
    %sub3A_210 = arith.constant 1.000000e+00 : f32
    %sub3A_211 = vector.broadcast %sub3A_210 : f32 to vector<256x1xf32>
    %sub3A_212 = arith.subf %sub3A_211, %sub3A_209 : vector<256x1xf32>
    %eq3A_213 = vector.broadcast %broadcast_in_dim3A_189 : vector<256x1xf32> to vector<256x2048xf32>
    %eq3A_214 = arith.cmpf oeq, %select_n3A_186, %eq3A_213 : vector<256x2048xf32>
    %jit3A_215 = arith.constant 0x7F800000 : f32
    %broadcast_in_dim3A_216 = vector.broadcast %jit3A_215 : f32 to vector<256x2048xf32>
    %select_n3A_217 = arith.select %eq3A_214, %broadcast_in_dim3A_216, %select_n3A_186 : vector<256x2048xi1>, vector<256x2048xf32>
    %reduce_min3A_218 = arith.constant dense<0x7F800000> : vector<256xf32>
    %reduce_min3A_219 = vector.multi_reduction <minimumf>, %select_n3A_217, %reduce_min3A_218 [1] : vector<256x2048xf32> to vector<256xf32>
    %broadcast_in_dim3A_220 = vector.shape_cast %reduce_min3A_219 : vector<256xf32> to vector<256x1xf32>
    %bitcast_convert_type3A_221 = tpu.bitcast %broadcast_in_dim3A_220 : vector<256x1xf32> -> vector<256x1xi32>
    %and3A_222 = arith.constant 2047 : i32
    %and3A_223 = vector.broadcast %and3A_222 : i32 to vector<256x1xi32>
    %and3A_224 = arith.andi %bitcast_convert_type3A_221, %and3A_223 : vector<256x1xi32>
    %and3A_225 = arith.constant -2048 : i32
    %and3A_226 = vector.broadcast %and3A_225 : i32 to vector<256x1xi32>
    %and3A_227 = arith.andi %bitcast_convert_type3A_221, %and3A_226 : vector<256x1xi32>
    %bitcast_convert_type3A_228 = tpu.bitcast %and3A_227 : vector<256x1xi32> -> vector<256x1xf32>
    %logistic3A_229 = arith.negf %bitcast_convert_type3A_228 : vector<256x1xf32>
    %logistic3A_230 = math.exp %logistic3A_229 : vector<256x1xf32>
    %logistic3A_231 = arith.constant 1.000000e+00 : f32
    %logistic3A_232 = vector.broadcast %logistic3A_231 : f32 to vector<256x1xf32>
    %logistic3A_233 = arith.addf %logistic3A_232, %logistic3A_230 : vector<256x1xf32>
    %logistic3A_234 = arith.divf %logistic3A_232, %logistic3A_233 : vector<256x1xf32>
    %mul3A_235 = arith.constant 2.000000e+00 : f32
    %mul3A_236 = vector.broadcast %mul3A_235 : f32 to vector<256x1xf32>
    %mul3A_237 = arith.mulf %mul3A_236, %logistic3A_234 : vector<256x1xf32>
    %sub3A_238 = arith.constant 1.000000e+00 : f32
    %sub3A_239 = vector.broadcast %sub3A_238 : f32 to vector<256x1xf32>
    %sub3A_240 = arith.subf %mul3A_237, %sub3A_239 : vector<256x1xf32>
    %sub3A_241 = arith.constant 1.000000e+00 : f32
    %sub3A_242 = vector.broadcast %sub3A_241 : f32 to vector<256x1xf32>
    %sub3A_243 = arith.subf %sub3A_242, %sub3A_240 : vector<256x1xf32>
    %eq3A_244 = vector.broadcast %broadcast_in_dim3A_220 : vector<256x1xf32> to vector<256x2048xf32>
    %eq3A_245 = arith.cmpf oeq, %select_n3A_217, %eq3A_244 : vector<256x2048xf32>
    %jit3A_246 = arith.constant 0x7F800000 : f32
    %broadcast_in_dim3A_247 = vector.broadcast %jit3A_246 : f32 to vector<256x2048xf32>
    %select_n3A_248 = arith.select %eq3A_245, %broadcast_in_dim3A_247, %select_n3A_217 : vector<256x2048xi1>, vector<256x2048xf32>
    %reduce_min3A_249 = arith.constant dense<0x7F800000> : vector<256xf32>
    %reduce_min3A_250 = vector.multi_reduction <minimumf>, %select_n3A_248, %reduce_min3A_249 [1] : vector<256x2048xf32> to vector<256xf32>
    %broadcast_in_dim3A_251 = vector.shape_cast %reduce_min3A_250 : vector<256xf32> to vector<256x1xf32>
    %bitcast_convert_type3A_252 = tpu.bitcast %broadcast_in_dim3A_251 : vector<256x1xf32> -> vector<256x1xi32>
    %and3A_253 = arith.constant 2047 : i32
    %and3A_254 = vector.broadcast %and3A_253 : i32 to vector<256x1xi32>
    %and3A_255 = arith.andi %bitcast_convert_type3A_252, %and3A_254 : vector<256x1xi32>
    %and3A_256 = arith.constant -2048 : i32
    %and3A_257 = vector.broadcast %and3A_256 : i32 to vector<256x1xi32>
    %and3A_258 = arith.andi %bitcast_convert_type3A_252, %and3A_257 : vector<256x1xi32>
    %bitcast_convert_type3A_259 = tpu.bitcast %and3A_258 : vector<256x1xi32> -> vector<256x1xf32>
    %logistic3A_260 = arith.negf %bitcast_convert_type3A_259 : vector<256x1xf32>
    %logistic3A_261 = math.exp %logistic3A_260 : vector<256x1xf32>
    %logistic3A_262 = arith.constant 1.000000e+00 : f32
    %logistic3A_263 = vector.broadcast %logistic3A_262 : f32 to vector<256x1xf32>
    %logistic3A_264 = arith.addf %logistic3A_263, %logistic3A_261 : vector<256x1xf32>
    %logistic3A_265 = arith.divf %logistic3A_263, %logistic3A_264 : vector<256x1xf32>
    %mul3A_266 = arith.constant 2.000000e+00 : f32
    %mul3A_267 = vector.broadcast %mul3A_266 : f32 to vector<256x1xf32>
    %mul3A_268 = arith.mulf %mul3A_267, %logistic3A_265 : vector<256x1xf32>
    %sub3A_269 = arith.constant 1.000000e+00 : f32
    %sub3A_270 = vector.broadcast %sub3A_269 : f32 to vector<256x1xf32>
    %sub3A_271 = arith.subf %mul3A_268, %sub3A_270 : vector<256x1xf32>
    %sub3A_272 = arith.constant 1.000000e+00 : f32
    %sub3A_273 = vector.broadcast %sub3A_272 : f32 to vector<256x1xf32>
    %sub3A_274 = arith.subf %sub3A_273, %sub3A_271 : vector<256x1xf32>
    %eq3A_275 = vector.broadcast %broadcast_in_dim3A_251 : vector<256x1xf32> to vector<256x2048xf32>
    %eq3A_276 = arith.cmpf oeq, %select_n3A_248, %eq3A_275 : vector<256x2048xf32>
    %jit3A_277 = arith.constant 0x7F800000 : f32
    %broadcast_in_dim3A_278 = vector.broadcast %jit3A_277 : f32 to vector<256x2048xf32>
    %select_n3A_279 = arith.select %eq3A_276, %broadcast_in_dim3A_278, %select_n3A_248 : vector<256x2048xi1>, vector<256x2048xf32>
    %reduce_min3A_280 = arith.constant dense<0x7F800000> : vector<256xf32>
    %reduce_min3A_281 = vector.multi_reduction <minimumf>, %select_n3A_279, %reduce_min3A_280 [1] : vector<256x2048xf32> to vector<256xf32>
    %broadcast_in_dim3A_282 = vector.shape_cast %reduce_min3A_281 : vector<256xf32> to vector<256x1xf32>
    %bitcast_convert_type3A_283 = tpu.bitcast %broadcast_in_dim3A_282 : vector<256x1xf32> -> vector<256x1xi32>
    %and3A_284 = arith.constant 2047 : i32
    %and3A_285 = vector.broadcast %and3A_284 : i32 to vector<256x1xi32>
    %and3A_286 = arith.andi %bitcast_convert_type3A_283, %and3A_285 : vector<256x1xi32>
    %and3A_287 = arith.constant -2048 : i32
    %and3A_288 = vector.broadcast %and3A_287 : i32 to vector<256x1xi32>
    %and3A_289 = arith.andi %bitcast_convert_type3A_283, %and3A_288 : vector<256x1xi32>
    %bitcast_convert_type3A_290 = tpu.bitcast %and3A_289 : vector<256x1xi32> -> vector<256x1xf32>
    %logistic3A_291 = arith.negf %bitcast_convert_type3A_290 : vector<256x1xf32>
    %logistic3A_292 = math.exp %logistic3A_291 : vector<256x1xf32>
    %logistic3A_293 = arith.constant 1.000000e+00 : f32
    %logistic3A_294 = vector.broadcast %logistic3A_293 : f32 to vector<256x1xf32>
    %logistic3A_295 = arith.addf %logistic3A_294, %logistic3A_292 : vector<256x1xf32>
    %logistic3A_296 = arith.divf %logistic3A_294, %logistic3A_295 : vector<256x1xf32>
    %mul3A_297 = arith.constant 2.000000e+00 : f32
    %mul3A_298 = vector.broadcast %mul3A_297 : f32 to vector<256x1xf32>
    %mul3A_299 = arith.mulf %mul3A_298, %logistic3A_296 : vector<256x1xf32>
    %sub3A_300 = arith.constant 1.000000e+00 : f32
    %sub3A_301 = vector.broadcast %sub3A_300 : f32 to vector<256x1xf32>
    %sub3A_302 = arith.subf %mul3A_299, %sub3A_301 : vector<256x1xf32>
    %sub3A_303 = arith.constant 1.000000e+00 : f32
    %sub3A_304 = vector.broadcast %sub3A_303 : f32 to vector<256x1xf32>
    %sub3A_305 = arith.subf %sub3A_304, %sub3A_302 : vector<256x1xf32>
    %eq3A_306 = vector.broadcast %broadcast_in_dim3A_282 : vector<256x1xf32> to vector<256x2048xf32>
    %eq3A_307 = arith.cmpf oeq, %select_n3A_279, %eq3A_306 : vector<256x2048xf32>
    %jit3A_308 = arith.constant 0x7F800000 : f32
    %broadcast_in_dim3A_309 = vector.broadcast %jit3A_308 : f32 to vector<256x2048xf32>
    %select_n3A_310 = arith.select %eq3A_307, %broadcast_in_dim3A_309, %select_n3A_279 : vector<256x2048xi1>, vector<256x2048xf32>
    %reduce_min3A_311 = arith.constant dense<0x7F800000> : vector<256xf32>
    %reduce_min3A_312 = vector.multi_reduction <minimumf>, %select_n3A_310, %reduce_min3A_311 [1] : vector<256x2048xf32> to vector<256xf32>
    %broadcast_in_dim3A_313 = vector.shape_cast %reduce_min3A_312 : vector<256xf32> to vector<256x1xf32>
    %bitcast_convert_type3A_314 = tpu.bitcast %broadcast_in_dim3A_313 : vector<256x1xf32> -> vector<256x1xi32>
    %and3A_315 = arith.constant 2047 : i32
    %and3A_316 = vector.broadcast %and3A_315 : i32 to vector<256x1xi32>
    %and3A_317 = arith.andi %bitcast_convert_type3A_314, %and3A_316 : vector<256x1xi32>
    %and3A_318 = arith.constant -2048 : i32
    %and3A_319 = vector.broadcast %and3A_318 : i32 to vector<256x1xi32>
    %and3A_320 = arith.andi %bitcast_convert_type3A_314, %and3A_319 : vector<256x1xi32>
    %bitcast_convert_type3A_321 = tpu.bitcast %and3A_320 : vector<256x1xi32> -> vector<256x1xf32>
    %logistic3A_322 = arith.negf %bitcast_convert_type3A_321 : vector<256x1xf32>
    %logistic3A_323 = math.exp %logistic3A_322 : vector<256x1xf32>
    %logistic3A_324 = arith.constant 1.000000e+00 : f32
    %logistic3A_325 = vector.broadcast %logistic3A_324 : f32 to vector<256x1xf32>
    %logistic3A_326 = arith.addf %logistic3A_325, %logistic3A_323 : vector<256x1xf32>
    %logistic3A_327 = arith.divf %logistic3A_325, %logistic3A_326 : vector<256x1xf32>
    %mul3A_328 = arith.constant 2.000000e+00 : f32
    %mul3A_329 = vector.broadcast %mul3A_328 : f32 to vector<256x1xf32>
    %mul3A_330 = arith.mulf %mul3A_329, %logistic3A_327 : vector<256x1xf32>
    %sub3A_331 = arith.constant 1.000000e+00 : f32
    %sub3A_332 = vector.broadcast %sub3A_331 : f32 to vector<256x1xf32>
    %sub3A_333 = arith.subf %mul3A_330, %sub3A_332 : vector<256x1xf32>
    %sub3A_334 = arith.constant 1.000000e+00 : f32
    %sub3A_335 = vector.broadcast %sub3A_334 : f32 to vector<256x1xf32>
    %sub3A_336 = arith.subf %sub3A_335, %sub3A_333 : vector<256x1xf32>
    %eq3A_337 = vector.broadcast %broadcast_in_dim3A_313 : vector<256x1xf32> to vector<256x2048xf32>
    %eq3A_338 = arith.cmpf oeq, %select_n3A_310, %eq3A_337 : vector<256x2048xf32>
    %jit3A_339 = arith.constant 0x7F800000 : f32
    %broadcast_in_dim3A_340 = vector.broadcast %jit3A_339 : f32 to vector<256x2048xf32>
    %select_n3A_341 = arith.select %eq3A_338, %broadcast_in_dim3A_340, %select_n3A_310 : vector<256x2048xi1>, vector<256x2048xf32>
    %reduce_min3A_342 = arith.constant dense<0x7F800000> : vector<256xf32>
    %reduce_min3A_343 = vector.multi_reduction <minimumf>, %select_n3A_341, %reduce_min3A_342 [1] : vector<256x2048xf32> to vector<256xf32>
    %broadcast_in_dim3A_344 = vector.shape_cast %reduce_min3A_343 : vector<256xf32> to vector<256x1xf32>
    %bitcast_convert_type3A_345 = tpu.bitcast %broadcast_in_dim3A_344 : vector<256x1xf32> -> vector<256x1xi32>
    %and3A_346 = arith.constant 2047 : i32
    %and3A_347 = vector.broadcast %and3A_346 : i32 to vector<256x1xi32>
    %and3A_348 = arith.andi %bitcast_convert_type3A_345, %and3A_347 : vector<256x1xi32>
    %and3A_349 = arith.constant -2048 : i32
    %and3A_350 = vector.broadcast %and3A_349 : i32 to vector<256x1xi32>
    %and3A_351 = arith.andi %bitcast_convert_type3A_345, %and3A_350 : vector<256x1xi32>
    %bitcast_convert_type3A_352 = tpu.bitcast %and3A_351 : vector<256x1xi32> -> vector<256x1xf32>
    %logistic3A_353 = arith.negf %bitcast_convert_type3A_352 : vector<256x1xf32>
    %logistic3A_354 = math.exp %logistic3A_353 : vector<256x1xf32>
    %logistic3A_355 = arith.constant 1.000000e+00 : f32
    %logistic3A_356 = vector.broadcast %logistic3A_355 : f32 to vector<256x1xf32>
    %logistic3A_357 = arith.addf %logistic3A_356, %logistic3A_354 : vector<256x1xf32>
    %logistic3A_358 = arith.divf %logistic3A_356, %logistic3A_357 : vector<256x1xf32>
    %mul3A_359 = arith.constant 2.000000e+00 : f32
    %mul3A_360 = vector.broadcast %mul3A_359 : f32 to vector<256x1xf32>
    %mul3A_361 = arith.mulf %mul3A_360, %logistic3A_358 : vector<256x1xf32>
    %sub3A_362 = arith.constant 1.000000e+00 : f32
    %sub3A_363 = vector.broadcast %sub3A_362 : f32 to vector<256x1xf32>
    %sub3A_364 = arith.subf %mul3A_361, %sub3A_363 : vector<256x1xf32>
    %sub3A_365 = arith.constant 1.000000e+00 : f32
    %sub3A_366 = vector.broadcast %sub3A_365 : f32 to vector<256x1xf32>
    %sub3A_367 = arith.subf %sub3A_366, %sub3A_364 : vector<256x1xf32>
    %eq3A_368 = vector.broadcast %broadcast_in_dim3A_344 : vector<256x1xf32> to vector<256x2048xf32>
    %eq3A_369 = arith.cmpf oeq, %select_n3A_341, %eq3A_368 : vector<256x2048xf32>
    %jit3A_370 = arith.constant 0x7F800000 : f32
    %broadcast_in_dim3A_371 = vector.broadcast %jit3A_370 : f32 to vector<256x2048xf32>
    %select_n3A_372 = arith.select %eq3A_369, %broadcast_in_dim3A_371, %select_n3A_341 : vector<256x2048xi1>, vector<256x2048xf32>
    %reduce_min3A_373 = arith.constant dense<0x7F800000> : vector<256xf32>
    %reduce_min3A_374 = vector.multi_reduction <minimumf>, %select_n3A_372, %reduce_min3A_373 [1] : vector<256x2048xf32> to vector<256xf32>
    %broadcast_in_dim3A_375 = vector.shape_cast %reduce_min3A_374 : vector<256xf32> to vector<256x1xf32>
    %bitcast_convert_type3A_376 = tpu.bitcast %broadcast_in_dim3A_375 : vector<256x1xf32> -> vector<256x1xi32>
    %and3A_377 = arith.constant 2047 : i32
    %and3A_378 = vector.broadcast %and3A_377 : i32 to vector<256x1xi32>
    %and3A_379 = arith.andi %bitcast_convert_type3A_376, %and3A_378 : vector<256x1xi32>
    %and3A_380 = arith.constant -2048 : i32
    %and3A_381 = vector.broadcast %and3A_380 : i32 to vector<256x1xi32>
    %and3A_382 = arith.andi %bitcast_convert_type3A_376, %and3A_381 : vector<256x1xi32>
    %bitcast_convert_type3A_383 = tpu.bitcast %and3A_382 : vector<256x1xi32> -> vector<256x1xf32>
    %logistic3A_384 = arith.negf %bitcast_convert_type3A_383 : vector<256x1xf32>
    %logistic3A_385 = math.exp %logistic3A_384 : vector<256x1xf32>
    %logistic3A_386 = arith.constant 1.000000e+00 : f32
    %logistic3A_387 = vector.broadcast %logistic3A_386 : f32 to vector<256x1xf32>
    %logistic3A_388 = arith.addf %logistic3A_387, %logistic3A_385 : vector<256x1xf32>
    %logistic3A_389 = arith.divf %logistic3A_387, %logistic3A_388 : vector<256x1xf32>
    %mul3A_390 = arith.constant 2.000000e+00 : f32
    %mul3A_391 = vector.broadcast %mul3A_390 : f32 to vector<256x1xf32>
    %mul3A_392 = arith.mulf %mul3A_391, %logistic3A_389 : vector<256x1xf32>
    %sub3A_393 = arith.constant 1.000000e+00 : f32
    %sub3A_394 = vector.broadcast %sub3A_393 : f32 to vector<256x1xf32>
    %sub3A_395 = arith.subf %mul3A_392, %sub3A_394 : vector<256x1xf32>
    %sub3A_396 = arith.constant 1.000000e+00 : f32
    %sub3A_397 = vector.broadcast %sub3A_396 : f32 to vector<256x1xf32>
    %sub3A_398 = arith.subf %sub3A_397, %sub3A_395 : vector<256x1xf32>
    %eq3A_399 = vector.broadcast %broadcast_in_dim3A_375 : vector<256x1xf32> to vector<256x2048xf32>
    %eq3A_400 = arith.cmpf oeq, %select_n3A_372, %eq3A_399 : vector<256x2048xf32>
    %jit3A_401 = arith.constant 0x7F800000 : f32
    %broadcast_in_dim3A_402 = vector.broadcast %jit3A_401 : f32 to vector<256x2048xf32>
    %select_n3A_403 = arith.select %eq3A_400, %broadcast_in_dim3A_402, %select_n3A_372 : vector<256x2048xi1>, vector<256x2048xf32>
    %reduce_min3A_404 = arith.constant dense<0x7F800000> : vector<256xf32>
    %reduce_min3A_405 = vector.multi_reduction <minimumf>, %select_n3A_403, %reduce_min3A_404 [1] : vector<256x2048xf32> to vector<256xf32>
    %broadcast_in_dim3A_406 = vector.shape_cast %reduce_min3A_405 : vector<256xf32> to vector<256x1xf32>
    %bitcast_convert_type3A_407 = tpu.bitcast %broadcast_in_dim3A_406 : vector<256x1xf32> -> vector<256x1xi32>
    %and3A_408 = arith.constant 2047 : i32
    %and3A_409 = vector.broadcast %and3A_408 : i32 to vector<256x1xi32>
    %and3A_410 = arith.andi %bitcast_convert_type3A_407, %and3A_409 : vector<256x1xi32>
    %and3A_411 = arith.constant -2048 : i32
    %and3A_412 = vector.broadcast %and3A_411 : i32 to vector<256x1xi32>
    %and3A_413 = arith.andi %bitcast_convert_type3A_407, %and3A_412 : vector<256x1xi32>
    %bitcast_convert_type3A_414 = tpu.bitcast %and3A_413 : vector<256x1xi32> -> vector<256x1xf32>
    %logistic3A_415 = arith.negf %bitcast_convert_type3A_414 : vector<256x1xf32>
    %logistic3A_416 = math.exp %logistic3A_415 : vector<256x1xf32>
    %logistic3A_417 = arith.constant 1.000000e+00 : f32
    %logistic3A_418 = vector.broadcast %logistic3A_417 : f32 to vector<256x1xf32>
    %logistic3A_419 = arith.addf %logistic3A_418, %logistic3A_416 : vector<256x1xf32>
    %logistic3A_420 = arith.divf %logistic3A_418, %logistic3A_419 : vector<256x1xf32>
    %mul3A_421 = arith.constant 2.000000e+00 : f32
    %mul3A_422 = vector.broadcast %mul3A_421 : f32 to vector<256x1xf32>
    %mul3A_423 = arith.mulf %mul3A_422, %logistic3A_420 : vector<256x1xf32>
    %sub3A_424 = arith.constant 1.000000e+00 : f32
    %sub3A_425 = vector.broadcast %sub3A_424 : f32 to vector<256x1xf32>
    %sub3A_426 = arith.subf %mul3A_423, %sub3A_425 : vector<256x1xf32>
    %sub3A_427 = arith.constant 1.000000e+00 : f32
    %sub3A_428 = vector.broadcast %sub3A_427 : f32 to vector<256x1xf32>
    %sub3A_429 = arith.subf %sub3A_428, %sub3A_426 : vector<256x1xf32>
    %eq3A_430 = vector.broadcast %broadcast_in_dim3A_406 : vector<256x1xf32> to vector<256x2048xf32>
    %eq3A_431 = arith.cmpf oeq, %select_n3A_403, %eq3A_430 : vector<256x2048xf32>
    %jit3A_432 = arith.constant 0x7F800000 : f32
    %broadcast_in_dim3A_433 = vector.broadcast %jit3A_432 : f32 to vector<256x2048xf32>
    %select_n3A_434 = arith.select %eq3A_431, %broadcast_in_dim3A_433, %select_n3A_403 : vector<256x2048xi1>, vector<256x2048xf32>
    %reduce_min3A_435 = arith.constant dense<0x7F800000> : vector<256xf32>
    %reduce_min3A_436 = vector.multi_reduction <minimumf>, %select_n3A_434, %reduce_min3A_435 [1] : vector<256x2048xf32> to vector<256xf32>
    %broadcast_in_dim3A_437 = vector.shape_cast %reduce_min3A_436 : vector<256xf32> to vector<256x1xf32>
    %bitcast_convert_type3A_438 = tpu.bitcast %broadcast_in_dim3A_437 : vector<256x1xf32> -> vector<256x1xi32>
    %and3A_439 = arith.constant 2047 : i32
    %and3A_440 = vector.broadcast %and3A_439 : i32 to vector<256x1xi32>
    %and3A_441 = arith.andi %bitcast_convert_type3A_438, %and3A_440 : vector<256x1xi32>
    %and3A_442 = arith.constant -2048 : i32
    %and3A_443 = vector.broadcast %and3A_442 : i32 to vector<256x1xi32>
    %and3A_444 = arith.andi %bitcast_convert_type3A_438, %and3A_443 : vector<256x1xi32>
    %bitcast_convert_type3A_445 = tpu.bitcast %and3A_444 : vector<256x1xi32> -> vector<256x1xf32>
    %logistic3A_446 = arith.negf %bitcast_convert_type3A_445 : vector<256x1xf32>
    %logistic3A_447 = math.exp %logistic3A_446 : vector<256x1xf32>
    %logistic3A_448 = arith.constant 1.000000e+00 : f32
    %logistic3A_449 = vector.broadcast %logistic3A_448 : f32 to vector<256x1xf32>
    %logistic3A_450 = arith.addf %logistic3A_449, %logistic3A_447 : vector<256x1xf32>
    %logistic3A_451 = arith.divf %logistic3A_449, %logistic3A_450 : vector<256x1xf32>
    %mul3A_452 = arith.constant 2.000000e+00 : f32
    %mul3A_453 = vector.broadcast %mul3A_452 : f32 to vector<256x1xf32>
    %mul3A_454 = arith.mulf %mul3A_453, %logistic3A_451 : vector<256x1xf32>
    %sub3A_455 = arith.constant 1.000000e+00 : f32
    %sub3A_456 = vector.broadcast %sub3A_455 : f32 to vector<256x1xf32>
    %sub3A_457 = arith.subf %mul3A_454, %sub3A_456 : vector<256x1xf32>
    %sub3A_458 = arith.constant 1.000000e+00 : f32
    %sub3A_459 = vector.broadcast %sub3A_458 : f32 to vector<256x1xf32>
    %sub3A_460 = arith.subf %sub3A_459, %sub3A_457 : vector<256x1xf32>
    %eq3A_461 = vector.broadcast %broadcast_in_dim3A_437 : vector<256x1xf32> to vector<256x2048xf32>
    %eq3A_462 = arith.cmpf oeq, %select_n3A_434, %eq3A_461 : vector<256x2048xf32>
    %jit3A_463 = arith.constant 0x7F800000 : f32
    %broadcast_in_dim3A_464 = vector.broadcast %jit3A_463 : f32 to vector<256x2048xf32>
    %select_n3A_465 = arith.select %eq3A_462, %broadcast_in_dim3A_464, %select_n3A_434 : vector<256x2048xi1>, vector<256x2048xf32>
    %reduce_min3A_466 = arith.constant dense<0x7F800000> : vector<256xf32>
    %reduce_min3A_467 = vector.multi_reduction <minimumf>, %select_n3A_465, %reduce_min3A_466 [1] : vector<256x2048xf32> to vector<256xf32>
    %broadcast_in_dim3A_468 = vector.shape_cast %reduce_min3A_467 : vector<256xf32> to vector<256x1xf32>
    %bitcast_convert_type3A_469 = tpu.bitcast %broadcast_in_dim3A_468 : vector<256x1xf32> -> vector<256x1xi32>
    %and3A_470 = arith.constant 2047 : i32
    %and3A_471 = vector.broadcast %and3A_470 : i32 to vector<256x1xi32>
    %and3A_472 = arith.andi %bitcast_convert_type3A_469, %and3A_471 : vector<256x1xi32>
    %and3A_473 = arith.constant -2048 : i32
    %and3A_474 = vector.broadcast %and3A_473 : i32 to vector<256x1xi32>
    %and3A_475 = arith.andi %bitcast_convert_type3A_469, %and3A_474 : vector<256x1xi32>
    %bitcast_convert_type3A_476 = tpu.bitcast %and3A_475 : vector<256x1xi32> -> vector<256x1xf32>
    %logistic3A_477 = arith.negf %bitcast_convert_type3A_476 : vector<256x1xf32>
    %logistic3A_478 = math.exp %logistic3A_477 : vector<256x1xf32>
    %logistic3A_479 = arith.constant 1.000000e+00 : f32
    %logistic3A_480 = vector.broadcast %logistic3A_479 : f32 to vector<256x1xf32>
    %logistic3A_481 = arith.addf %logistic3A_480, %logistic3A_478 : vector<256x1xf32>
    %logistic3A_482 = arith.divf %logistic3A_480, %logistic3A_481 : vector<256x1xf32>
    %mul3A_483 = arith.constant 2.000000e+00 : f32
    %mul3A_484 = vector.broadcast %mul3A_483 : f32 to vector<256x1xf32>
    %mul3A_485 = arith.mulf %mul3A_484, %logistic3A_482 : vector<256x1xf32>
    %sub3A_486 = arith.constant 1.000000e+00 : f32
    %sub3A_487 = vector.broadcast %sub3A_486 : f32 to vector<256x1xf32>
    %sub3A_488 = arith.subf %mul3A_485, %sub3A_487 : vector<256x1xf32>
    %sub3A_489 = arith.constant 1.000000e+00 : f32
    %sub3A_490 = vector.broadcast %sub3A_489 : f32 to vector<256x1xf32>
    %sub3A_491 = arith.subf %sub3A_490, %sub3A_488 : vector<256x1xf32>
    %eq3A_492 = vector.broadcast %broadcast_in_dim3A_468 : vector<256x1xf32> to vector<256x2048xf32>
    %eq3A_493 = arith.cmpf oeq, %select_n3A_465, %eq3A_492 : vector<256x2048xf32>
    %jit3A_494 = arith.constant 0x7F800000 : f32
    %broadcast_in_dim3A_495 = vector.broadcast %jit3A_494 : f32 to vector<256x2048xf32>
    %select_n3A_496 = arith.select %eq3A_493, %broadcast_in_dim3A_495, %select_n3A_465 : vector<256x2048xi1>, vector<256x2048xf32>
    %reduce_min3A_497 = arith.constant dense<0x7F800000> : vector<256xf32>
    %reduce_min3A_498 = vector.multi_reduction <minimumf>, %select_n3A_496, %reduce_min3A_497 [1] : vector<256x2048xf32> to vector<256xf32>
    %broadcast_in_dim3A_499 = vector.shape_cast %reduce_min3A_498 : vector<256xf32> to vector<256x1xf32>
    %bitcast_convert_type3A_500 = tpu.bitcast %broadcast_in_dim3A_499 : vector<256x1xf32> -> vector<256x1xi32>
    %and3A_501 = arith.constant 2047 : i32
    %and3A_502 = vector.broadcast %and3A_501 : i32 to vector<256x1xi32>
    %and3A_503 = arith.andi %bitcast_convert_type3A_500, %and3A_502 : vector<256x1xi32>
    %and3A_504 = arith.constant -2048 : i32
    %and3A_505 = vector.broadcast %and3A_504 : i32 to vector<256x1xi32>
    %and3A_506 = arith.andi %bitcast_convert_type3A_500, %and3A_505 : vector<256x1xi32>
    %bitcast_convert_type3A_507 = tpu.bitcast %and3A_506 : vector<256x1xi32> -> vector<256x1xf32>
    %logistic3A_508 = arith.negf %bitcast_convert_type3A_507 : vector<256x1xf32>
    %logistic3A_509 = math.exp %logistic3A_508 : vector<256x1xf32>
    %logistic3A_510 = arith.constant 1.000000e+00 : f32
    %logistic3A_511 = vector.broadcast %logistic3A_510 : f32 to vector<256x1xf32>
    %logistic3A_512 = arith.addf %logistic3A_511, %logistic3A_509 : vector<256x1xf32>
    %logistic3A_513 = arith.divf %logistic3A_511, %logistic3A_512 : vector<256x1xf32>
    %mul3A_514 = arith.constant 2.000000e+00 : f32
    %mul3A_515 = vector.broadcast %mul3A_514 : f32 to vector<256x1xf32>
    %mul3A_516 = arith.mulf %mul3A_515, %logistic3A_513 : vector<256x1xf32>
    %sub3A_517 = arith.constant 1.000000e+00 : f32
    %sub3A_518 = vector.broadcast %sub3A_517 : f32 to vector<256x1xf32>
    %sub3A_519 = arith.subf %mul3A_516, %sub3A_518 : vector<256x1xf32>
    %sub3A_520 = arith.constant 1.000000e+00 : f32
    %sub3A_521 = vector.broadcast %sub3A_520 : f32 to vector<256x1xf32>
    %sub3A_522 = arith.subf %sub3A_521, %sub3A_519 : vector<256x1xf32>
    %eq3A_523 = vector.broadcast %broadcast_in_dim3A_499 : vector<256x1xf32> to vector<256x2048xf32>
    %eq3A_524 = arith.cmpf oeq, %select_n3A_496, %eq3A_523 : vector<256x2048xf32>
    %jit3A_525 = arith.constant 0x7F800000 : f32
    %broadcast_in_dim3A_526 = vector.broadcast %jit3A_525 : f32 to vector<256x2048xf32>
    %select_n3A_527 = arith.select %eq3A_524, %broadcast_in_dim3A_526, %select_n3A_496 : vector<256x2048xi1>, vector<256x2048xf32>
    %reduce_min3A_528 = arith.constant dense<0x7F800000> : vector<256xf32>
    %reduce_min3A_529 = vector.multi_reduction <minimumf>, %select_n3A_527, %reduce_min3A_528 [1] : vector<256x2048xf32> to vector<256xf32>
    %broadcast_in_dim3A_530 = vector.shape_cast %reduce_min3A_529 : vector<256xf32> to vector<256x1xf32>
    %bitcast_convert_type3A_531 = tpu.bitcast %broadcast_in_dim3A_530 : vector<256x1xf32> -> vector<256x1xi32>
    %and3A_532 = arith.constant 2047 : i32
    %and3A_533 = vector.broadcast %and3A_532 : i32 to vector<256x1xi32>
    %and3A_534 = arith.andi %bitcast_convert_type3A_531, %and3A_533 : vector<256x1xi32>
    %and3A_535 = arith.constant -2048 : i32
    %and3A_536 = vector.broadcast %and3A_535 : i32 to vector<256x1xi32>
    %and3A_537 = arith.andi %bitcast_convert_type3A_531, %and3A_536 : vector<256x1xi32>
    %bitcast_convert_type3A_538 = tpu.bitcast %and3A_537 : vector<256x1xi32> -> vector<256x1xf32>
    %logistic3A_539 = arith.negf %bitcast_convert_type3A_538 : vector<256x1xf32>
    %logistic3A_540 = math.exp %logistic3A_539 : vector<256x1xf32>
    %logistic3A_541 = arith.constant 1.000000e+00 : f32
    %logistic3A_542 = vector.broadcast %logistic3A_541 : f32 to vector<256x1xf32>
    %logistic3A_543 = arith.addf %logistic3A_542, %logistic3A_540 : vector<256x1xf32>
    %logistic3A_544 = arith.divf %logistic3A_542, %logistic3A_543 : vector<256x1xf32>
    %mul3A_545 = arith.constant 2.000000e+00 : f32
    %mul3A_546 = vector.broadcast %mul3A_545 : f32 to vector<256x1xf32>
    %mul3A_547 = arith.mulf %mul3A_546, %logistic3A_544 : vector<256x1xf32>
    %sub3A_548 = arith.constant 1.000000e+00 : f32
    %sub3A_549 = vector.broadcast %sub3A_548 : f32 to vector<256x1xf32>
    %sub3A_550 = arith.subf %mul3A_547, %sub3A_549 : vector<256x1xf32>
    %sub3A_551 = arith.constant 1.000000e+00 : f32
    %sub3A_552 = vector.broadcast %sub3A_551 : f32 to vector<256x1xf32>
    %sub3A_553 = arith.subf %sub3A_552, %sub3A_550 : vector<256x1xf32>
    %eq3A_554 = vector.broadcast %broadcast_in_dim3A_530 : vector<256x1xf32> to vector<256x2048xf32>
    %eq3A_555 = arith.cmpf oeq, %select_n3A_527, %eq3A_554 : vector<256x2048xf32>
    %jit3A_556 = arith.constant 0x7F800000 : f32
    %broadcast_in_dim3A_557 = vector.broadcast %jit3A_556 : f32 to vector<256x2048xf32>
    %select_n3A_558 = arith.select %eq3A_555, %broadcast_in_dim3A_557, %select_n3A_527 : vector<256x2048xi1>, vector<256x2048xf32>
    %reduce_min3A_559 = arith.constant dense<0x7F800000> : vector<256xf32>
    %reduce_min3A_560 = vector.multi_reduction <minimumf>, %select_n3A_558, %reduce_min3A_559 [1] : vector<256x2048xf32> to vector<256xf32>
    %broadcast_in_dim3A_561 = vector.shape_cast %reduce_min3A_560 : vector<256xf32> to vector<256x1xf32>
    %bitcast_convert_type3A_562 = tpu.bitcast %broadcast_in_dim3A_561 : vector<256x1xf32> -> vector<256x1xi32>
    %and3A_563 = arith.constant 2047 : i32
    %and3A_564 = vector.broadcast %and3A_563 : i32 to vector<256x1xi32>
    %and3A_565 = arith.andi %bitcast_convert_type3A_562, %and3A_564 : vector<256x1xi32>
    %and3A_566 = arith.constant -2048 : i32
    %and3A_567 = vector.broadcast %and3A_566 : i32 to vector<256x1xi32>
    %and3A_568 = arith.andi %bitcast_convert_type3A_562, %and3A_567 : vector<256x1xi32>
    %bitcast_convert_type3A_569 = tpu.bitcast %and3A_568 : vector<256x1xi32> -> vector<256x1xf32>
    %logistic3A_570 = arith.negf %bitcast_convert_type3A_569 : vector<256x1xf32>
    %logistic3A_571 = math.exp %logistic3A_570 : vector<256x1xf32>
    %logistic3A_572 = arith.constant 1.000000e+00 : f32
    %logistic3A_573 = vector.broadcast %logistic3A_572 : f32 to vector<256x1xf32>
    %logistic3A_574 = arith.addf %logistic3A_573, %logistic3A_571 : vector<256x1xf32>
    %logistic3A_575 = arith.divf %logistic3A_573, %logistic3A_574 : vector<256x1xf32>
    %mul3A_576 = arith.constant 2.000000e+00 : f32
    %mul3A_577 = vector.broadcast %mul3A_576 : f32 to vector<256x1xf32>
    %mul3A_578 = arith.mulf %mul3A_577, %logistic3A_575 : vector<256x1xf32>
    %sub3A_579 = arith.constant 1.000000e+00 : f32
    %sub3A_580 = vector.broadcast %sub3A_579 : f32 to vector<256x1xf32>
    %sub3A_581 = arith.subf %mul3A_578, %sub3A_580 : vector<256x1xf32>
    %sub3A_582 = arith.constant 1.000000e+00 : f32
    %sub3A_583 = vector.broadcast %sub3A_582 : f32 to vector<256x1xf32>
    %sub3A_584 = arith.subf %sub3A_583, %sub3A_581 : vector<256x1xf32>
    %eq3A_585 = vector.broadcast %broadcast_in_dim3A_561 : vector<256x1xf32> to vector<256x2048xf32>
    %eq3A_586 = arith.cmpf oeq, %select_n3A_558, %eq3A_585 : vector<256x2048xf32>
    %jit3A_587 = arith.constant 0x7F800000 : f32
    %broadcast_in_dim3A_588 = vector.broadcast %jit3A_587 : f32 to vector<256x2048xf32>
    %select_n3A_589 = arith.select %eq3A_586, %broadcast_in_dim3A_588, %select_n3A_558 : vector<256x2048xi1>, vector<256x2048xf32>
    %reduce_min3A_590 = arith.constant dense<0x7F800000> : vector<256xf32>
    %reduce_min3A_591 = vector.multi_reduction <minimumf>, %select_n3A_589, %reduce_min3A_590 [1] : vector<256x2048xf32> to vector<256xf32>
    %broadcast_in_dim3A_592 = vector.shape_cast %reduce_min3A_591 : vector<256xf32> to vector<256x1xf32>
    %bitcast_convert_type3A_593 = tpu.bitcast %broadcast_in_dim3A_592 : vector<256x1xf32> -> vector<256x1xi32>
    %and3A_594 = arith.constant 2047 : i32
    %and3A_595 = vector.broadcast %and3A_594 : i32 to vector<256x1xi32>
    %and3A_596 = arith.andi %bitcast_convert_type3A_593, %and3A_595 : vector<256x1xi32>
    %and3A_597 = arith.constant -2048 : i32
    %and3A_598 = vector.broadcast %and3A_597 : i32 to vector<256x1xi32>
    %and3A_599 = arith.andi %bitcast_convert_type3A_593, %and3A_598 : vector<256x1xi32>
    %bitcast_convert_type3A_600 = tpu.bitcast %and3A_599 : vector<256x1xi32> -> vector<256x1xf32>
    %logistic3A_601 = arith.negf %bitcast_convert_type3A_600 : vector<256x1xf32>
    %logistic3A_602 = math.exp %logistic3A_601 : vector<256x1xf32>
    %logistic3A_603 = arith.constant 1.000000e+00 : f32
    %logistic3A_604 = vector.broadcast %logistic3A_603 : f32 to vector<256x1xf32>
    %logistic3A_605 = arith.addf %logistic3A_604, %logistic3A_602 : vector<256x1xf32>
    %logistic3A_606 = arith.divf %logistic3A_604, %logistic3A_605 : vector<256x1xf32>
    %mul3A_607 = arith.constant 2.000000e+00 : f32
    %mul3A_608 = vector.broadcast %mul3A_607 : f32 to vector<256x1xf32>
    %mul3A_609 = arith.mulf %mul3A_608, %logistic3A_606 : vector<256x1xf32>
    %sub3A_610 = arith.constant 1.000000e+00 : f32
    %sub3A_611 = vector.broadcast %sub3A_610 : f32 to vector<256x1xf32>
    %sub3A_612 = arith.subf %mul3A_609, %sub3A_611 : vector<256x1xf32>
    %sub3A_613 = arith.constant 1.000000e+00 : f32
    %sub3A_614 = vector.broadcast %sub3A_613 : f32 to vector<256x1xf32>
    %sub3A_615 = arith.subf %sub3A_614, %sub3A_612 : vector<256x1xf32>
    %eq3A_616 = vector.broadcast %broadcast_in_dim3A_592 : vector<256x1xf32> to vector<256x2048xf32>
    %eq3A_617 = arith.cmpf oeq, %select_n3A_589, %eq3A_616 : vector<256x2048xf32>
    %jit3A_618 = arith.constant 0x7F800000 : f32
    %broadcast_in_dim3A_619 = vector.broadcast %jit3A_618 : f32 to vector<256x2048xf32>
    %select_n3A_620 = arith.select %eq3A_617, %broadcast_in_dim3A_619, %select_n3A_589 : vector<256x2048xi1>, vector<256x2048xf32>
    %reduce_min3A_621 = arith.constant dense<0x7F800000> : vector<256xf32>
    %reduce_min3A_622 = vector.multi_reduction <minimumf>, %select_n3A_620, %reduce_min3A_621 [1] : vector<256x2048xf32> to vector<256xf32>
    %broadcast_in_dim3A_623 = vector.shape_cast %reduce_min3A_622 : vector<256xf32> to vector<256x1xf32>
    %bitcast_convert_type3A_624 = tpu.bitcast %broadcast_in_dim3A_623 : vector<256x1xf32> -> vector<256x1xi32>
    %and3A_625 = arith.constant 2047 : i32
    %and3A_626 = vector.broadcast %and3A_625 : i32 to vector<256x1xi32>
    %and3A_627 = arith.andi %bitcast_convert_type3A_624, %and3A_626 : vector<256x1xi32>
    %and3A_628 = arith.constant -2048 : i32
    %and3A_629 = vector.broadcast %and3A_628 : i32 to vector<256x1xi32>
    %and3A_630 = arith.andi %bitcast_convert_type3A_624, %and3A_629 : vector<256x1xi32>
    %bitcast_convert_type3A_631 = tpu.bitcast %and3A_630 : vector<256x1xi32> -> vector<256x1xf32>
    %logistic3A_632 = arith.negf %bitcast_convert_type3A_631 : vector<256x1xf32>
    %logistic3A_633 = math.exp %logistic3A_632 : vector<256x1xf32>
    %logistic3A_634 = arith.constant 1.000000e+00 : f32
    %logistic3A_635 = vector.broadcast %logistic3A_634 : f32 to vector<256x1xf32>
    %logistic3A_636 = arith.addf %logistic3A_635, %logistic3A_633 : vector<256x1xf32>
    %logistic3A_637 = arith.divf %logistic3A_635, %logistic3A_636 : vector<256x1xf32>
    %mul3A_638 = arith.constant 2.000000e+00 : f32
    %mul3A_639 = vector.broadcast %mul3A_638 : f32 to vector<256x1xf32>
    %mul3A_640 = arith.mulf %mul3A_639, %logistic3A_637 : vector<256x1xf32>
    %sub3A_641 = arith.constant 1.000000e+00 : f32
    %sub3A_642 = vector.broadcast %sub3A_641 : f32 to vector<256x1xf32>
    %sub3A_643 = arith.subf %mul3A_640, %sub3A_642 : vector<256x1xf32>
    %sub3A_644 = arith.constant 1.000000e+00 : f32
    %sub3A_645 = vector.broadcast %sub3A_644 : f32 to vector<256x1xf32>
    %sub3A_646 = arith.subf %sub3A_645, %sub3A_643 : vector<256x1xf32>
    %concatenate3A = tpu.concatenate %and3A_40, %and3A_69, %and3A_100, %and3A_131, %and3A_162, %and3A_193, %and3A_224, %and3A_255, %and3A_286, %and3A_317, %and3A_348, %and3A_379, %and3A_410, %and3A_441, %and3A_472, %and3A_503, %and3A_534, %and3A_565, %and3A_596, %and3A_627 in 1 : vector<256x1xi32>, vector<256x1xi32>, vector<256x1xi32>, vector<256x1xi32>, vector<256x1xi32>, vector<256x1xi32>, vector<256x1xi32>, vector<256x1xi32>, vector<256x1xi32>, vector<256x1xi32>, vector<256x1xi32>, vector<256x1xi32>, vector<256x1xi32>, vector<256x1xi32>, vector<256x1xi32>, vector<256x1xi32>, vector<256x1xi32>, vector<256x1xi32>, vector<256x1xi32>, vector<256x1xi32> -> vector<256x20xi32>
    %add3A_647 = vector.broadcast %mul3A_25 : i32 to vector<256x20xi32>
    %add3A_648 = arith.addi %concatenate3A, %add3A_647 : vector<256x20xi32>
    %swap3A = arith.constant 0 : index
    %swap3A_649 = arith.constant 0 : index
    %swap3A_650 = arith.constant 0 : index
    %swap3A_651 = vector.load %arg7[%swap3A, %swap3A_649, %swap3A_650] : memref<1x256x20xi32, #tpu.memory_space<vmem>>, vector<1x256x20xi32>
    %swap3A_652 = vector.shape_cast %swap3A_651 : vector<1x256x20xi32> to vector<256x20xi32>
    %swap3A_653 = vector.shape_cast %add3A_648 : vector<256x20xi32> to vector<1x256x20xi32>
    tpu.vector_store %arg7[%swap3A, %swap3A_649, %swap3A_650], %swap3A_653 {strides = array<i32>} : memref<1x256x20xi32, #tpu.memory_space<vmem>>, vector<1x256x20xi32>,
    %concatenate3A_654 = tpu.concatenate %sub3A_57, %sub3A_88, %sub3A_119, %sub3A_150, %sub3A_181, %sub3A_212, %sub3A_243, %sub3A_274, %sub3A_305, %sub3A_336, %sub3A_367, %sub3A_398, %sub3A_429, %sub3A_460, %sub3A_491, %sub3A_522, %sub3A_553, %sub3A_584, %sub3A_615, %sub3A_646 in 1 : vector<256x1xf32>, vector<256x1xf32>, vector<256x1xf32>, vector<256x1xf32>, vector<256x1xf32>, vector<256x1xf32>, vector<256x1xf32>, vector<256x1xf32>, vector<256x1xf32>, vector<256x1xf32>, vector<256x1xf32>, vector<256x1xf32>, vector<256x1xf32>, vector<256x1xf32>, vector<256x1xf32>, vector<256x1xf32>, vector<256x1xf32>, vector<256x1xf32>, vector<256x1xf32>, vector<256x1xf32> -> vector<256x20xf32>
    %swap3A_655 = arith.constant 0 : index
    %swap3A_656 = arith.constant 0 : index
    %swap3A_657 = arith.constant 0 : index
    %swap3A_658 = vector.load %arg8[%swap3A_655, %swap3A_656, %swap3A_657] : memref<1x256x20xf32, #tpu.memory_space<vmem>>, vector<1x256x20xf32>
    %swap3A_659 = vector.shape_cast %swap3A_658 : vector<1x256x20xf32> to vector<256x20xf32>
    %swap3A_660 = vector.shape_cast %concatenate3A_654 : vector<256x20xf32> to vector<1x256x20xf32>
    tpu.vector_store %arg8[%swap3A_655, %swap3A_656, %swap3A_657], %swap3A_660 {strides = array<i32>} : memref<1x256x20xf32, #tpu.memory_space<vmem>>, vector<1x256x20xf32>,
    %get3A_661 = arith.constant 0 : index
    %get3A_662 = arith.constant 0 : index
    %get3A_663 = vector.load %arg4[%get3A_661, %get3A_662] : memref<64x64xf32, #tpu.memory_space<vmem>>, vector<64x64xf32>
    %dot_general3A_664 = arith.constant dense<0.000000e+00> : vector<256x64xf32>
    %dot_general3A_665 = tpu.matmul %get3A_3, %get3A_663, %dot_general3A_664 {dimension_numbers = #tpu.dot_dimension_numbers<[1], [0], [0], [1], [0, 0, 1, 1], [], []>, precision = #tpu.contract_precision<fp32>, transpose_lhs_hint = false} : vector<256x64xf32>, vector<64x64xf32>, vector<256x64xf32> -> vector<256x64xf32>
    %get3A_666 = arith.constant 0 : index
    %get3A_667 = arith.constant 0 : index
    %get3A_668 = vector.load %arg6[%get3A_666, %get3A_667] : memref<1x64xf32, #tpu.memory_space<vmem>>, vector<1x64xf32>
    %add3A_669 = vector.broadcast %get3A_668 : vector<1x64xf32> to vector<256x64xf32>
    %add3A_670 = arith.addf %dot_general3A_665, %add3A_669 : vector<256x64xf32>
    %swap3A_671 = arith.constant 0 : index
    %swap3A_672 = arith.constant 0 : index
    %swap3A_673 = arith.constant 0 : index
    %swap3A_674 = vector.load %arg9[%swap3A_671, %swap3A_672, %swap3A_673] : memref<1x256x64xf32, #tpu.memory_space<vmem>>, vector<1x256x64xf32>
    %swap3A_675 = vector.shape_cast %swap3A_674 : vector<1x256x64xf32> to vector<256x64xf32>
    %swap3A_676 = vector.shape_cast %add3A_670 : vector<256x64xf32> to vector<1x256x64xf32>
    tpu.vector_store %arg9[%swap3A_671, %swap3A_672, %swap3A_673], %swap3A_676 {strides = array<i32>} : memref<1x256x64xf32, #tpu.memory_space<vmem>>, vector<1x256x64xf32>,
    %get3A_677 = arith.constant 0 : index
    %get3A_678 = arith.constant 0 : index
    %get3A_679 = vector.load %arg5[%get3A_677, %get3A_678] : memref<64x64xf32, #tpu.memory_space<vmem>>, vector<64x64xf32>
    %dot_general3A_680 = arith.constant dense<0.000000e+00> : vector<256x64xf32>
    %dot_general3A_681 = tpu.matmul %get3A_3, %get3A_679, %dot_general3A_680 {dimension_numbers = #tpu.dot_dimension_numbers<[1], [0], [0], [1], [0, 0, 1, 1], [], []>, precision = #tpu.contract_precision<fp32>, transpose_lhs_hint = false} : vector<256x64xf32>, vector<64x64xf32>, vector<256x64xf32> -> vector<256x64xf32>
    %swap3A_682 = arith.constant 0 : index
    %swap3A_683 = arith.constant 0 : index
    %swap3A_684 = arith.constant 0 : index
    %swap3A_685 = vector.load %arg10[%swap3A_682, %swap3A_683, %swap3A_684] : memref<1x256x64xf32, #tpu.memory_space<vmem>>, vector<1x256x64xf32>
    %swap3A_686 = vector.shape_cast %swap3A_685 : vector<1x256x64xf32> to vector<256x64xf32>
    %swap3A_687 = vector.shape_cast %dot_general3A_681 : vector<256x64xf32> to vector<1x256x64xf32>
    tpu.vector_store %arg10[%swap3A_682, %swap3A_683, %swap3A_684], %swap3A_687 {strides = array<i32>} : memref<1x256x64xf32, #tpu.memory_space<vmem>>, vector<1x256x64xf32>,
    return
  }
  func.func @transform_0(%arg0: i32, %arg1: i32) -> (i32, i32, i32) {
    %c0_i32 = arith.constant 0 : i32
    %c0_i32_0 = arith.constant 0 : i32
    return %arg0, %arg1, %c0_i32 : i32, i32, i32
  }
  func.func @transform_1(%arg0: i32, %arg1: i32) -> (i32, i32, i32) {
    %c0_i32 = arith.constant 0 : i32
    %c0_i32_0 = arith.constant 0 : i32
    %c0_i32_1 = arith.constant 0 : i32
    return %arg0, %c0_i32, %c0_i32_0 : i32, i32, i32
  }
  func.func @transform_2(%arg0: i32, %arg1: i32) -> (i32, i32) {
    %c0_i32 = arith.constant 0 : i32
    %c0_i32_0 = arith.constant 0 : i32
    %c0_i32_1 = arith.constant 0 : i32
    return %c0_i32, %c0_i32_0 : i32, i32
  }
  func.func @transform_3(%arg0: i32, %arg1: i32) -> (i32, i32) {
    %c0_i32 = arith.constant 0 : i32
    %c0_i32_0 = arith.constant 0 : i32
    %c0_i32_1 = arith.constant 0 : i32
    return %c0_i32, %c0_i32_0 : i32, i32
  }
  func.func @transform_4(%arg0: i32, %arg1: i32) -> (i32, i32) {
    %c0_i32 = arith.constant 0 : i32
    %c0_i32_0 = arith.constant 0 : i32
    %c0_i32_1 = arith.constant 0 : i32
    return %c0_i32, %c0_i32_0 : i32, i32
  }
  func.func @transform_5(%arg0: i32, %arg1: i32) -> (i32, i32, i32) {
    %c0_i32 = arith.constant 0 : i32
    %c0_i32_0 = arith.constant 0 : i32
    return %arg0, %arg1, %c0_i32 : i32, i32, i32
  }
  func.func @transform_6(%arg0: i32, %arg1: i32) -> (i32, i32, i32) {
    %c0_i32 = arith.constant 0 : i32
    %c0_i32_0 = arith.constant 0 : i32
    return %arg0, %arg1, %c0_i32 : i32, i32, i32
  }
  func.func @transform_7(%arg0: i32, %arg1: i32) -> (i32, i32, i32) {
    %c0_i32 = arith.constant 0 : i32
    %c0_i32_0 = arith.constant 0 : i32
    return %arg0, %arg1, %c0_i32 : i32, i32, i32
  }
  func.func @transform_8(%arg0: i32, %arg1: i32) -> (i32, i32, i32) {
    %c0_i32 = arith.constant 0 : i32
    %c0_i32_0 = arith.constant 0 : i32
    return %arg0, %arg1, %c0_i32 : i32, i32, i32
  }
}

module attributes {stable_mosaic.version = 14 : i64} {
  func.func @_combine_kernel(%arg0: i32, %arg1: i32, %arg2: memref<1x128x20x64xbf16, #tpu.memory_space<vmem>>, %arg3: memref<1x128x20xf32, #tpu.memory_space<vmem>>, %arg4: memref<1x128x64xf32, #tpu.memory_space<vmem>>, %arg5: memref<1x128x64xf32, #tpu.memory_space<vmem>>, %arg6: memref<1x128x64xf32, #tpu.memory_space<vmem>>, %arg7: memref<1x64xf32, #tpu.memory_space<vmem>>, %arg8: memref<1x64xf32, #tpu.memory_space<vmem>>) attributes {dimension_semantics = [#tpu.dimension_semantics<arbitrary>, #tpu.dimension_semantics<arbitrary>], iteration_bounds = array<i64: 8, 16>, scalar_prefetch = 0 : i64, scratch_operands = 0 : i64, tpu.core_type = #tpu.core_type<tc>, window_params = [{transform_indices = @transform_0, window_bounds = array<i64: 1, 128, 20, 64>}, {transform_indices = @transform_1, window_bounds = array<i64: 1, 128, 20>}, {transform_indices = @transform_2, window_bounds = array<i64: 1, 128, 64>}, {transform_indices = @transform_3, window_bounds = array<i64: 1, 128, 64>}, {transform_indices = @transform_4, window_bounds = array<i64: 1, 128, 64>}, {pipeline_mode = #tpu.pipeline_mode<synchronous>, transform_indices = @transform_5, window_bounds = array<i64: 1, 64>}, {pipeline_mode = #tpu.pipeline_mode<synchronous>, transform_indices = @transform_6, window_bounds = array<i64: 1, 64>}]} {
    %get3A = arith.constant 0 : index
    %get3A_0 = arith.constant 0 : index
    %get3A_1 = arith.constant 0 : index
    %get3A_2 = vector.load %arg3[%get3A, %get3A_0, %get3A_1] : memref<1x128x20xf32, #tpu.memory_space<vmem>>, vector<1x128x20xf32>
    %get3A_3 = vector.shape_cast %get3A_2 : vector<1x128x20xf32> to vector<128x20xf32>
    %get3A_4 = arith.constant 0 : index
    %get3A_5 = arith.constant 0 : index
    %get3A_6 = arith.constant 0 : index
    %get3A_7 = vector.load %arg4[%get3A_4, %get3A_5, %get3A_6] : memref<1x128x64xf32, #tpu.memory_space<vmem>>, vector<1x128x64xf32>
    %get3A_8 = vector.shape_cast %get3A_7 : vector<1x128x64xf32> to vector<128x64xf32>
    %broadcast_in_dim3A = arith.constant 0.000000e+00 : f32
    %broadcast_in_dim3A_9 = vector.broadcast %broadcast_in_dim3A : f32 to vector<1x64xf32>
    %broadcast_in_dim3A_10 = arith.constant 0.000000e+00 : f32
    %broadcast_in_dim3A_11 = vector.broadcast %broadcast_in_dim3A_10 : f32 to vector<1x64xf32>
    %get3A_12 = arith.constant 0 : index
    %get3A_13 = arith.constant 0 : index
    %get3A_14 = arith.constant 0 : index
    %get3A_15 = arith.constant 0 : index
    %get3A_16 = vector.load %arg2[%get3A_12, %get3A_13, %get3A_14, %get3A_15] : memref<1x128x20x64xbf16, #tpu.memory_space<vmem>>, vector<1x128x1x64xbf16>
    %get3A_17 = vector.shape_cast %get3A_16 : vector<1x128x1x64xbf16> to vector<128x64xbf16>
    %convert_element_type3A = arith.extf %get3A_17 : vector<128x64xbf16> to vector<128x64xf32>
    %slice3A = vector.extract_strided_slice %get3A_3 {offsets = [0, 0], sizes = [128, 1], strides = [1, 1]} : vector<128x20xf32> to vector<128x1xf32>
    %mul3A = vector.broadcast %slice3A : vector<128x1xf32> to vector<128x64xf32>
    %mul3A_18 = arith.mulf %mul3A, %convert_element_type3A : vector<128x64xf32>
    %add3A = arith.addf %get3A_8, %mul3A_18 : vector<128x64xf32>
    %reduce_sum3A = arith.constant dense<0.000000e+00> : vector<64xf32>
    %reduce_sum3A_19 = vector.multi_reduction <add>, %add3A, %reduce_sum3A [0] : vector<128x64xf32> to vector<64xf32>
    %broadcast_in_dim3A_20 = vector.shape_cast %reduce_sum3A_19 : vector<64xf32> to vector<1x64xf32>
    %add3A_21 = arith.addf %broadcast_in_dim3A_9, %broadcast_in_dim3A_20 : vector<1x64xf32>
    %mul3A_22 = arith.mulf %add3A, %add3A : vector<128x64xf32>
    %reduce_sum3A_23 = arith.constant dense<0.000000e+00> : vector<64xf32>
    %reduce_sum3A_24 = vector.multi_reduction <add>, %mul3A_22, %reduce_sum3A_23 [0] : vector<128x64xf32> to vector<64xf32>
    %broadcast_in_dim3A_25 = vector.shape_cast %reduce_sum3A_24 : vector<64xf32> to vector<1x64xf32>
    %add3A_26 = arith.addf %broadcast_in_dim3A_11, %broadcast_in_dim3A_25 : vector<1x64xf32>
    %get3A_27 = arith.constant 0 : index
    %get3A_28 = arith.constant 0 : index
    %get3A_29 = arith.constant 1 : index
    %get3A_30 = arith.constant 0 : index
    %get3A_31 = vector.load %arg2[%get3A_27, %get3A_28, %get3A_29, %get3A_30] : memref<1x128x20x64xbf16, #tpu.memory_space<vmem>>, vector<1x128x1x64xbf16>
    %get3A_32 = vector.shape_cast %get3A_31 : vector<1x128x1x64xbf16> to vector<128x64xbf16>
    %convert_element_type3A_33 = arith.extf %get3A_32 : vector<128x64xbf16> to vector<128x64xf32>
    %slice3A_34 = vector.extract_strided_slice %get3A_3 {offsets = [0, 1], sizes = [128, 1], strides = [1, 1]} : vector<128x20xf32> to vector<128x1xf32>
    %mul3A_35 = vector.broadcast %slice3A_34 : vector<128x1xf32> to vector<128x64xf32>
    %mul3A_36 = arith.mulf %mul3A_35, %convert_element_type3A_33 : vector<128x64xf32>
    %add3A_37 = arith.addf %get3A_8, %mul3A_36 : vector<128x64xf32>
    %max3A = arith.maximumf %add3A, %add3A_37 : vector<128x64xf32>
    %min3A = arith.minimumf %add3A, %add3A_37 : vector<128x64xf32>
    %reduce_sum3A_38 = arith.constant dense<0.000000e+00> : vector<64xf32>
    %reduce_sum3A_39 = vector.multi_reduction <add>, %add3A_37, %reduce_sum3A_38 [0] : vector<128x64xf32> to vector<64xf32>
    %broadcast_in_dim3A_40 = vector.shape_cast %reduce_sum3A_39 : vector<64xf32> to vector<1x64xf32>
    %add3A_41 = arith.addf %add3A_21, %broadcast_in_dim3A_40 : vector<1x64xf32>
    %mul3A_42 = arith.mulf %add3A_37, %add3A_37 : vector<128x64xf32>
    %reduce_sum3A_43 = arith.constant dense<0.000000e+00> : vector<64xf32>
    %reduce_sum3A_44 = vector.multi_reduction <add>, %mul3A_42, %reduce_sum3A_43 [0] : vector<128x64xf32> to vector<64xf32>
    %broadcast_in_dim3A_45 = vector.shape_cast %reduce_sum3A_44 : vector<64xf32> to vector<1x64xf32>
    %add3A_46 = arith.addf %add3A_26, %broadcast_in_dim3A_45 : vector<1x64xf32>
    %get3A_47 = arith.constant 0 : index
    %get3A_48 = arith.constant 0 : index
    %get3A_49 = arith.constant 2 : index
    %get3A_50 = arith.constant 0 : index
    %get3A_51 = vector.load %arg2[%get3A_47, %get3A_48, %get3A_49, %get3A_50] : memref<1x128x20x64xbf16, #tpu.memory_space<vmem>>, vector<1x128x1x64xbf16>
    %get3A_52 = vector.shape_cast %get3A_51 : vector<1x128x1x64xbf16> to vector<128x64xbf16>
    %convert_element_type3A_53 = arith.extf %get3A_52 : vector<128x64xbf16> to vector<128x64xf32>
    %slice3A_54 = vector.extract_strided_slice %get3A_3 {offsets = [0, 2], sizes = [128, 1], strides = [1, 1]} : vector<128x20xf32> to vector<128x1xf32>
    %mul3A_55 = vector.broadcast %slice3A_54 : vector<128x1xf32> to vector<128x64xf32>
    %mul3A_56 = arith.mulf %mul3A_55, %convert_element_type3A_53 : vector<128x64xf32>
    %add3A_57 = arith.addf %get3A_8, %mul3A_56 : vector<128x64xf32>
    %max3A_58 = arith.maximumf %max3A, %add3A_57 : vector<128x64xf32>
    %min3A_59 = arith.minimumf %min3A, %add3A_57 : vector<128x64xf32>
    %reduce_sum3A_60 = arith.constant dense<0.000000e+00> : vector<64xf32>
    %reduce_sum3A_61 = vector.multi_reduction <add>, %add3A_57, %reduce_sum3A_60 [0] : vector<128x64xf32> to vector<64xf32>
    %broadcast_in_dim3A_62 = vector.shape_cast %reduce_sum3A_61 : vector<64xf32> to vector<1x64xf32>
    %add3A_63 = arith.addf %add3A_41, %broadcast_in_dim3A_62 : vector<1x64xf32>
    %mul3A_64 = arith.mulf %add3A_57, %add3A_57 : vector<128x64xf32>
    %reduce_sum3A_65 = arith.constant dense<0.000000e+00> : vector<64xf32>
    %reduce_sum3A_66 = vector.multi_reduction <add>, %mul3A_64, %reduce_sum3A_65 [0] : vector<128x64xf32> to vector<64xf32>
    %broadcast_in_dim3A_67 = vector.shape_cast %reduce_sum3A_66 : vector<64xf32> to vector<1x64xf32>
    %add3A_68 = arith.addf %add3A_46, %broadcast_in_dim3A_67 : vector<1x64xf32>
    %get3A_69 = arith.constant 0 : index
    %get3A_70 = arith.constant 0 : index
    %get3A_71 = arith.constant 3 : index
    %get3A_72 = arith.constant 0 : index
    %get3A_73 = vector.load %arg2[%get3A_69, %get3A_70, %get3A_71, %get3A_72] : memref<1x128x20x64xbf16, #tpu.memory_space<vmem>>, vector<1x128x1x64xbf16>
    %get3A_74 = vector.shape_cast %get3A_73 : vector<1x128x1x64xbf16> to vector<128x64xbf16>
    %convert_element_type3A_75 = arith.extf %get3A_74 : vector<128x64xbf16> to vector<128x64xf32>
    %slice3A_76 = vector.extract_strided_slice %get3A_3 {offsets = [0, 3], sizes = [128, 1], strides = [1, 1]} : vector<128x20xf32> to vector<128x1xf32>
    %mul3A_77 = vector.broadcast %slice3A_76 : vector<128x1xf32> to vector<128x64xf32>
    %mul3A_78 = arith.mulf %mul3A_77, %convert_element_type3A_75 : vector<128x64xf32>
    %add3A_79 = arith.addf %get3A_8, %mul3A_78 : vector<128x64xf32>
    %max3A_80 = arith.maximumf %max3A_58, %add3A_79 : vector<128x64xf32>
    %min3A_81 = arith.minimumf %min3A_59, %add3A_79 : vector<128x64xf32>
    %reduce_sum3A_82 = arith.constant dense<0.000000e+00> : vector<64xf32>
    %reduce_sum3A_83 = vector.multi_reduction <add>, %add3A_79, %reduce_sum3A_82 [0] : vector<128x64xf32> to vector<64xf32>
    %broadcast_in_dim3A_84 = vector.shape_cast %reduce_sum3A_83 : vector<64xf32> to vector<1x64xf32>
    %add3A_85 = arith.addf %add3A_63, %broadcast_in_dim3A_84 : vector<1x64xf32>
    %mul3A_86 = arith.mulf %add3A_79, %add3A_79 : vector<128x64xf32>
    %reduce_sum3A_87 = arith.constant dense<0.000000e+00> : vector<64xf32>
    %reduce_sum3A_88 = vector.multi_reduction <add>, %mul3A_86, %reduce_sum3A_87 [0] : vector<128x64xf32> to vector<64xf32>
    %broadcast_in_dim3A_89 = vector.shape_cast %reduce_sum3A_88 : vector<64xf32> to vector<1x64xf32>
    %add3A_90 = arith.addf %add3A_68, %broadcast_in_dim3A_89 : vector<1x64xf32>
    %get3A_91 = arith.constant 0 : index
    %get3A_92 = arith.constant 0 : index
    %get3A_93 = arith.constant 4 : index
    %get3A_94 = arith.constant 0 : index
    %get3A_95 = vector.load %arg2[%get3A_91, %get3A_92, %get3A_93, %get3A_94] : memref<1x128x20x64xbf16, #tpu.memory_space<vmem>>, vector<1x128x1x64xbf16>
    %get3A_96 = vector.shape_cast %get3A_95 : vector<1x128x1x64xbf16> to vector<128x64xbf16>
    %convert_element_type3A_97 = arith.extf %get3A_96 : vector<128x64xbf16> to vector<128x64xf32>
    %slice3A_98 = vector.extract_strided_slice %get3A_3 {offsets = [0, 4], sizes = [128, 1], strides = [1, 1]} : vector<128x20xf32> to vector<128x1xf32>
    %mul3A_99 = vector.broadcast %slice3A_98 : vector<128x1xf32> to vector<128x64xf32>
    %mul3A_100 = arith.mulf %mul3A_99, %convert_element_type3A_97 : vector<128x64xf32>
    %add3A_101 = arith.addf %get3A_8, %mul3A_100 : vector<128x64xf32>
    %max3A_102 = arith.maximumf %max3A_80, %add3A_101 : vector<128x64xf32>
    %min3A_103 = arith.minimumf %min3A_81, %add3A_101 : vector<128x64xf32>
    %reduce_sum3A_104 = arith.constant dense<0.000000e+00> : vector<64xf32>
    %reduce_sum3A_105 = vector.multi_reduction <add>, %add3A_101, %reduce_sum3A_104 [0] : vector<128x64xf32> to vector<64xf32>
    %broadcast_in_dim3A_106 = vector.shape_cast %reduce_sum3A_105 : vector<64xf32> to vector<1x64xf32>
    %add3A_107 = arith.addf %add3A_85, %broadcast_in_dim3A_106 : vector<1x64xf32>
    %mul3A_108 = arith.mulf %add3A_101, %add3A_101 : vector<128x64xf32>
    %reduce_sum3A_109 = arith.constant dense<0.000000e+00> : vector<64xf32>
    %reduce_sum3A_110 = vector.multi_reduction <add>, %mul3A_108, %reduce_sum3A_109 [0] : vector<128x64xf32> to vector<64xf32>
    %broadcast_in_dim3A_111 = vector.shape_cast %reduce_sum3A_110 : vector<64xf32> to vector<1x64xf32>
    %add3A_112 = arith.addf %add3A_90, %broadcast_in_dim3A_111 : vector<1x64xf32>
    %get3A_113 = arith.constant 0 : index
    %get3A_114 = arith.constant 0 : index
    %get3A_115 = arith.constant 5 : index
    %get3A_116 = arith.constant 0 : index
    %get3A_117 = vector.load %arg2[%get3A_113, %get3A_114, %get3A_115, %get3A_116] : memref<1x128x20x64xbf16, #tpu.memory_space<vmem>>, vector<1x128x1x64xbf16>
    %get3A_118 = vector.shape_cast %get3A_117 : vector<1x128x1x64xbf16> to vector<128x64xbf16>
    %convert_element_type3A_119 = arith.extf %get3A_118 : vector<128x64xbf16> to vector<128x64xf32>
    %slice3A_120 = vector.extract_strided_slice %get3A_3 {offsets = [0, 5], sizes = [128, 1], strides = [1, 1]} : vector<128x20xf32> to vector<128x1xf32>
    %mul3A_121 = vector.broadcast %slice3A_120 : vector<128x1xf32> to vector<128x64xf32>
    %mul3A_122 = arith.mulf %mul3A_121, %convert_element_type3A_119 : vector<128x64xf32>
    %add3A_123 = arith.addf %get3A_8, %mul3A_122 : vector<128x64xf32>
    %max3A_124 = arith.maximumf %max3A_102, %add3A_123 : vector<128x64xf32>
    %min3A_125 = arith.minimumf %min3A_103, %add3A_123 : vector<128x64xf32>
    %reduce_sum3A_126 = arith.constant dense<0.000000e+00> : vector<64xf32>
    %reduce_sum3A_127 = vector.multi_reduction <add>, %add3A_123, %reduce_sum3A_126 [0] : vector<128x64xf32> to vector<64xf32>
    %broadcast_in_dim3A_128 = vector.shape_cast %reduce_sum3A_127 : vector<64xf32> to vector<1x64xf32>
    %add3A_129 = arith.addf %add3A_107, %broadcast_in_dim3A_128 : vector<1x64xf32>
    %mul3A_130 = arith.mulf %add3A_123, %add3A_123 : vector<128x64xf32>
    %reduce_sum3A_131 = arith.constant dense<0.000000e+00> : vector<64xf32>
    %reduce_sum3A_132 = vector.multi_reduction <add>, %mul3A_130, %reduce_sum3A_131 [0] : vector<128x64xf32> to vector<64xf32>
    %broadcast_in_dim3A_133 = vector.shape_cast %reduce_sum3A_132 : vector<64xf32> to vector<1x64xf32>
    %add3A_134 = arith.addf %add3A_112, %broadcast_in_dim3A_133 : vector<1x64xf32>
    %get3A_135 = arith.constant 0 : index
    %get3A_136 = arith.constant 0 : index
    %get3A_137 = arith.constant 6 : index
    %get3A_138 = arith.constant 0 : index
    %get3A_139 = vector.load %arg2[%get3A_135, %get3A_136, %get3A_137, %get3A_138] : memref<1x128x20x64xbf16, #tpu.memory_space<vmem>>, vector<1x128x1x64xbf16>
    %get3A_140 = vector.shape_cast %get3A_139 : vector<1x128x1x64xbf16> to vector<128x64xbf16>
    %convert_element_type3A_141 = arith.extf %get3A_140 : vector<128x64xbf16> to vector<128x64xf32>
    %slice3A_142 = vector.extract_strided_slice %get3A_3 {offsets = [0, 6], sizes = [128, 1], strides = [1, 1]} : vector<128x20xf32> to vector<128x1xf32>
    %mul3A_143 = vector.broadcast %slice3A_142 : vector<128x1xf32> to vector<128x64xf32>
    %mul3A_144 = arith.mulf %mul3A_143, %convert_element_type3A_141 : vector<128x64xf32>
    %add3A_145 = arith.addf %get3A_8, %mul3A_144 : vector<128x64xf32>
    %max3A_146 = arith.maximumf %max3A_124, %add3A_145 : vector<128x64xf32>
    %min3A_147 = arith.minimumf %min3A_125, %add3A_145 : vector<128x64xf32>
    %reduce_sum3A_148 = arith.constant dense<0.000000e+00> : vector<64xf32>
    %reduce_sum3A_149 = vector.multi_reduction <add>, %add3A_145, %reduce_sum3A_148 [0] : vector<128x64xf32> to vector<64xf32>
    %broadcast_in_dim3A_150 = vector.shape_cast %reduce_sum3A_149 : vector<64xf32> to vector<1x64xf32>
    %add3A_151 = arith.addf %add3A_129, %broadcast_in_dim3A_150 : vector<1x64xf32>
    %mul3A_152 = arith.mulf %add3A_145, %add3A_145 : vector<128x64xf32>
    %reduce_sum3A_153 = arith.constant dense<0.000000e+00> : vector<64xf32>
    %reduce_sum3A_154 = vector.multi_reduction <add>, %mul3A_152, %reduce_sum3A_153 [0] : vector<128x64xf32> to vector<64xf32>
    %broadcast_in_dim3A_155 = vector.shape_cast %reduce_sum3A_154 : vector<64xf32> to vector<1x64xf32>
    %add3A_156 = arith.addf %add3A_134, %broadcast_in_dim3A_155 : vector<1x64xf32>
    %get3A_157 = arith.constant 0 : index
    %get3A_158 = arith.constant 0 : index
    %get3A_159 = arith.constant 7 : index
    %get3A_160 = arith.constant 0 : index
    %get3A_161 = vector.load %arg2[%get3A_157, %get3A_158, %get3A_159, %get3A_160] : memref<1x128x20x64xbf16, #tpu.memory_space<vmem>>, vector<1x128x1x64xbf16>
    %get3A_162 = vector.shape_cast %get3A_161 : vector<1x128x1x64xbf16> to vector<128x64xbf16>
    %convert_element_type3A_163 = arith.extf %get3A_162 : vector<128x64xbf16> to vector<128x64xf32>
    %slice3A_164 = vector.extract_strided_slice %get3A_3 {offsets = [0, 7], sizes = [128, 1], strides = [1, 1]} : vector<128x20xf32> to vector<128x1xf32>
    %mul3A_165 = vector.broadcast %slice3A_164 : vector<128x1xf32> to vector<128x64xf32>
    %mul3A_166 = arith.mulf %mul3A_165, %convert_element_type3A_163 : vector<128x64xf32>
    %add3A_167 = arith.addf %get3A_8, %mul3A_166 : vector<128x64xf32>
    %max3A_168 = arith.maximumf %max3A_146, %add3A_167 : vector<128x64xf32>
    %min3A_169 = arith.minimumf %min3A_147, %add3A_167 : vector<128x64xf32>
    %reduce_sum3A_170 = arith.constant dense<0.000000e+00> : vector<64xf32>
    %reduce_sum3A_171 = vector.multi_reduction <add>, %add3A_167, %reduce_sum3A_170 [0] : vector<128x64xf32> to vector<64xf32>
    %broadcast_in_dim3A_172 = vector.shape_cast %reduce_sum3A_171 : vector<64xf32> to vector<1x64xf32>
    %add3A_173 = arith.addf %add3A_151, %broadcast_in_dim3A_172 : vector<1x64xf32>
    %mul3A_174 = arith.mulf %add3A_167, %add3A_167 : vector<128x64xf32>
    %reduce_sum3A_175 = arith.constant dense<0.000000e+00> : vector<64xf32>
    %reduce_sum3A_176 = vector.multi_reduction <add>, %mul3A_174, %reduce_sum3A_175 [0] : vector<128x64xf32> to vector<64xf32>
    %broadcast_in_dim3A_177 = vector.shape_cast %reduce_sum3A_176 : vector<64xf32> to vector<1x64xf32>
    %add3A_178 = arith.addf %add3A_156, %broadcast_in_dim3A_177 : vector<1x64xf32>
    %get3A_179 = arith.constant 0 : index
    %get3A_180 = arith.constant 0 : index
    %get3A_181 = arith.constant 8 : index
    %get3A_182 = arith.constant 0 : index
    %get3A_183 = vector.load %arg2[%get3A_179, %get3A_180, %get3A_181, %get3A_182] : memref<1x128x20x64xbf16, #tpu.memory_space<vmem>>, vector<1x128x1x64xbf16>
    %get3A_184 = vector.shape_cast %get3A_183 : vector<1x128x1x64xbf16> to vector<128x64xbf16>
    %convert_element_type3A_185 = arith.extf %get3A_184 : vector<128x64xbf16> to vector<128x64xf32>
    %slice3A_186 = vector.extract_strided_slice %get3A_3 {offsets = [0, 8], sizes = [128, 1], strides = [1, 1]} : vector<128x20xf32> to vector<128x1xf32>
    %mul3A_187 = vector.broadcast %slice3A_186 : vector<128x1xf32> to vector<128x64xf32>
    %mul3A_188 = arith.mulf %mul3A_187, %convert_element_type3A_185 : vector<128x64xf32>
    %add3A_189 = arith.addf %get3A_8, %mul3A_188 : vector<128x64xf32>
    %max3A_190 = arith.maximumf %max3A_168, %add3A_189 : vector<128x64xf32>
    %min3A_191 = arith.minimumf %min3A_169, %add3A_189 : vector<128x64xf32>
    %reduce_sum3A_192 = arith.constant dense<0.000000e+00> : vector<64xf32>
    %reduce_sum3A_193 = vector.multi_reduction <add>, %add3A_189, %reduce_sum3A_192 [0] : vector<128x64xf32> to vector<64xf32>
    %broadcast_in_dim3A_194 = vector.shape_cast %reduce_sum3A_193 : vector<64xf32> to vector<1x64xf32>
    %add3A_195 = arith.addf %add3A_173, %broadcast_in_dim3A_194 : vector<1x64xf32>
    %mul3A_196 = arith.mulf %add3A_189, %add3A_189 : vector<128x64xf32>
    %reduce_sum3A_197 = arith.constant dense<0.000000e+00> : vector<64xf32>
    %reduce_sum3A_198 = vector.multi_reduction <add>, %mul3A_196, %reduce_sum3A_197 [0] : vector<128x64xf32> to vector<64xf32>
    %broadcast_in_dim3A_199 = vector.shape_cast %reduce_sum3A_198 : vector<64xf32> to vector<1x64xf32>
    %add3A_200 = arith.addf %add3A_178, %broadcast_in_dim3A_199 : vector<1x64xf32>
    %get3A_201 = arith.constant 0 : index
    %get3A_202 = arith.constant 0 : index
    %get3A_203 = arith.constant 9 : index
    %get3A_204 = arith.constant 0 : index
    %get3A_205 = vector.load %arg2[%get3A_201, %get3A_202, %get3A_203, %get3A_204] : memref<1x128x20x64xbf16, #tpu.memory_space<vmem>>, vector<1x128x1x64xbf16>
    %get3A_206 = vector.shape_cast %get3A_205 : vector<1x128x1x64xbf16> to vector<128x64xbf16>
    %convert_element_type3A_207 = arith.extf %get3A_206 : vector<128x64xbf16> to vector<128x64xf32>
    %slice3A_208 = vector.extract_strided_slice %get3A_3 {offsets = [0, 9], sizes = [128, 1], strides = [1, 1]} : vector<128x20xf32> to vector<128x1xf32>
    %mul3A_209 = vector.broadcast %slice3A_208 : vector<128x1xf32> to vector<128x64xf32>
    %mul3A_210 = arith.mulf %mul3A_209, %convert_element_type3A_207 : vector<128x64xf32>
    %add3A_211 = arith.addf %get3A_8, %mul3A_210 : vector<128x64xf32>
    %max3A_212 = arith.maximumf %max3A_190, %add3A_211 : vector<128x64xf32>
    %min3A_213 = arith.minimumf %min3A_191, %add3A_211 : vector<128x64xf32>
    %reduce_sum3A_214 = arith.constant dense<0.000000e+00> : vector<64xf32>
    %reduce_sum3A_215 = vector.multi_reduction <add>, %add3A_211, %reduce_sum3A_214 [0] : vector<128x64xf32> to vector<64xf32>
    %broadcast_in_dim3A_216 = vector.shape_cast %reduce_sum3A_215 : vector<64xf32> to vector<1x64xf32>
    %add3A_217 = arith.addf %add3A_195, %broadcast_in_dim3A_216 : vector<1x64xf32>
    %mul3A_218 = arith.mulf %add3A_211, %add3A_211 : vector<128x64xf32>
    %reduce_sum3A_219 = arith.constant dense<0.000000e+00> : vector<64xf32>
    %reduce_sum3A_220 = vector.multi_reduction <add>, %mul3A_218, %reduce_sum3A_219 [0] : vector<128x64xf32> to vector<64xf32>
    %broadcast_in_dim3A_221 = vector.shape_cast %reduce_sum3A_220 : vector<64xf32> to vector<1x64xf32>
    %add3A_222 = arith.addf %add3A_200, %broadcast_in_dim3A_221 : vector<1x64xf32>
    %get3A_223 = arith.constant 0 : index
    %get3A_224 = arith.constant 0 : index
    %get3A_225 = arith.constant 10 : index
    %get3A_226 = arith.constant 0 : index
    %get3A_227 = vector.load %arg2[%get3A_223, %get3A_224, %get3A_225, %get3A_226] : memref<1x128x20x64xbf16, #tpu.memory_space<vmem>>, vector<1x128x1x64xbf16>
    %get3A_228 = vector.shape_cast %get3A_227 : vector<1x128x1x64xbf16> to vector<128x64xbf16>
    %convert_element_type3A_229 = arith.extf %get3A_228 : vector<128x64xbf16> to vector<128x64xf32>
    %slice3A_230 = vector.extract_strided_slice %get3A_3 {offsets = [0, 10], sizes = [128, 1], strides = [1, 1]} : vector<128x20xf32> to vector<128x1xf32>
    %mul3A_231 = vector.broadcast %slice3A_230 : vector<128x1xf32> to vector<128x64xf32>
    %mul3A_232 = arith.mulf %mul3A_231, %convert_element_type3A_229 : vector<128x64xf32>
    %add3A_233 = arith.addf %get3A_8, %mul3A_232 : vector<128x64xf32>
    %max3A_234 = arith.maximumf %max3A_212, %add3A_233 : vector<128x64xf32>
    %min3A_235 = arith.minimumf %min3A_213, %add3A_233 : vector<128x64xf32>
    %reduce_sum3A_236 = arith.constant dense<0.000000e+00> : vector<64xf32>
    %reduce_sum3A_237 = vector.multi_reduction <add>, %add3A_233, %reduce_sum3A_236 [0] : vector<128x64xf32> to vector<64xf32>
    %broadcast_in_dim3A_238 = vector.shape_cast %reduce_sum3A_237 : vector<64xf32> to vector<1x64xf32>
    %add3A_239 = arith.addf %add3A_217, %broadcast_in_dim3A_238 : vector<1x64xf32>
    %mul3A_240 = arith.mulf %add3A_233, %add3A_233 : vector<128x64xf32>
    %reduce_sum3A_241 = arith.constant dense<0.000000e+00> : vector<64xf32>
    %reduce_sum3A_242 = vector.multi_reduction <add>, %mul3A_240, %reduce_sum3A_241 [0] : vector<128x64xf32> to vector<64xf32>
    %broadcast_in_dim3A_243 = vector.shape_cast %reduce_sum3A_242 : vector<64xf32> to vector<1x64xf32>
    %add3A_244 = arith.addf %add3A_222, %broadcast_in_dim3A_243 : vector<1x64xf32>
    %get3A_245 = arith.constant 0 : index
    %get3A_246 = arith.constant 0 : index
    %get3A_247 = arith.constant 11 : index
    %get3A_248 = arith.constant 0 : index
    %get3A_249 = vector.load %arg2[%get3A_245, %get3A_246, %get3A_247, %get3A_248] : memref<1x128x20x64xbf16, #tpu.memory_space<vmem>>, vector<1x128x1x64xbf16>
    %get3A_250 = vector.shape_cast %get3A_249 : vector<1x128x1x64xbf16> to vector<128x64xbf16>
    %convert_element_type3A_251 = arith.extf %get3A_250 : vector<128x64xbf16> to vector<128x64xf32>
    %slice3A_252 = vector.extract_strided_slice %get3A_3 {offsets = [0, 11], sizes = [128, 1], strides = [1, 1]} : vector<128x20xf32> to vector<128x1xf32>
    %mul3A_253 = vector.broadcast %slice3A_252 : vector<128x1xf32> to vector<128x64xf32>
    %mul3A_254 = arith.mulf %mul3A_253, %convert_element_type3A_251 : vector<128x64xf32>
    %add3A_255 = arith.addf %get3A_8, %mul3A_254 : vector<128x64xf32>
    %max3A_256 = arith.maximumf %max3A_234, %add3A_255 : vector<128x64xf32>
    %min3A_257 = arith.minimumf %min3A_235, %add3A_255 : vector<128x64xf32>
    %reduce_sum3A_258 = arith.constant dense<0.000000e+00> : vector<64xf32>
    %reduce_sum3A_259 = vector.multi_reduction <add>, %add3A_255, %reduce_sum3A_258 [0] : vector<128x64xf32> to vector<64xf32>
    %broadcast_in_dim3A_260 = vector.shape_cast %reduce_sum3A_259 : vector<64xf32> to vector<1x64xf32>
    %add3A_261 = arith.addf %add3A_239, %broadcast_in_dim3A_260 : vector<1x64xf32>
    %mul3A_262 = arith.mulf %add3A_255, %add3A_255 : vector<128x64xf32>
    %reduce_sum3A_263 = arith.constant dense<0.000000e+00> : vector<64xf32>
    %reduce_sum3A_264 = vector.multi_reduction <add>, %mul3A_262, %reduce_sum3A_263 [0] : vector<128x64xf32> to vector<64xf32>
    %broadcast_in_dim3A_265 = vector.shape_cast %reduce_sum3A_264 : vector<64xf32> to vector<1x64xf32>
    %add3A_266 = arith.addf %add3A_244, %broadcast_in_dim3A_265 : vector<1x64xf32>
    %get3A_267 = arith.constant 0 : index
    %get3A_268 = arith.constant 0 : index
    %get3A_269 = arith.constant 12 : index
    %get3A_270 = arith.constant 0 : index
    %get3A_271 = vector.load %arg2[%get3A_267, %get3A_268, %get3A_269, %get3A_270] : memref<1x128x20x64xbf16, #tpu.memory_space<vmem>>, vector<1x128x1x64xbf16>
    %get3A_272 = vector.shape_cast %get3A_271 : vector<1x128x1x64xbf16> to vector<128x64xbf16>
    %convert_element_type3A_273 = arith.extf %get3A_272 : vector<128x64xbf16> to vector<128x64xf32>
    %slice3A_274 = vector.extract_strided_slice %get3A_3 {offsets = [0, 12], sizes = [128, 1], strides = [1, 1]} : vector<128x20xf32> to vector<128x1xf32>
    %mul3A_275 = vector.broadcast %slice3A_274 : vector<128x1xf32> to vector<128x64xf32>
    %mul3A_276 = arith.mulf %mul3A_275, %convert_element_type3A_273 : vector<128x64xf32>
    %add3A_277 = arith.addf %get3A_8, %mul3A_276 : vector<128x64xf32>
    %max3A_278 = arith.maximumf %max3A_256, %add3A_277 : vector<128x64xf32>
    %min3A_279 = arith.minimumf %min3A_257, %add3A_277 : vector<128x64xf32>
    %reduce_sum3A_280 = arith.constant dense<0.000000e+00> : vector<64xf32>
    %reduce_sum3A_281 = vector.multi_reduction <add>, %add3A_277, %reduce_sum3A_280 [0] : vector<128x64xf32> to vector<64xf32>
    %broadcast_in_dim3A_282 = vector.shape_cast %reduce_sum3A_281 : vector<64xf32> to vector<1x64xf32>
    %add3A_283 = arith.addf %add3A_261, %broadcast_in_dim3A_282 : vector<1x64xf32>
    %mul3A_284 = arith.mulf %add3A_277, %add3A_277 : vector<128x64xf32>
    %reduce_sum3A_285 = arith.constant dense<0.000000e+00> : vector<64xf32>
    %reduce_sum3A_286 = vector.multi_reduction <add>, %mul3A_284, %reduce_sum3A_285 [0] : vector<128x64xf32> to vector<64xf32>
    %broadcast_in_dim3A_287 = vector.shape_cast %reduce_sum3A_286 : vector<64xf32> to vector<1x64xf32>
    %add3A_288 = arith.addf %add3A_266, %broadcast_in_dim3A_287 : vector<1x64xf32>
    %get3A_289 = arith.constant 0 : index
    %get3A_290 = arith.constant 0 : index
    %get3A_291 = arith.constant 13 : index
    %get3A_292 = arith.constant 0 : index
    %get3A_293 = vector.load %arg2[%get3A_289, %get3A_290, %get3A_291, %get3A_292] : memref<1x128x20x64xbf16, #tpu.memory_space<vmem>>, vector<1x128x1x64xbf16>
    %get3A_294 = vector.shape_cast %get3A_293 : vector<1x128x1x64xbf16> to vector<128x64xbf16>
    %convert_element_type3A_295 = arith.extf %get3A_294 : vector<128x64xbf16> to vector<128x64xf32>
    %slice3A_296 = vector.extract_strided_slice %get3A_3 {offsets = [0, 13], sizes = [128, 1], strides = [1, 1]} : vector<128x20xf32> to vector<128x1xf32>
    %mul3A_297 = vector.broadcast %slice3A_296 : vector<128x1xf32> to vector<128x64xf32>
    %mul3A_298 = arith.mulf %mul3A_297, %convert_element_type3A_295 : vector<128x64xf32>
    %add3A_299 = arith.addf %get3A_8, %mul3A_298 : vector<128x64xf32>
    %max3A_300 = arith.maximumf %max3A_278, %add3A_299 : vector<128x64xf32>
    %min3A_301 = arith.minimumf %min3A_279, %add3A_299 : vector<128x64xf32>
    %reduce_sum3A_302 = arith.constant dense<0.000000e+00> : vector<64xf32>
    %reduce_sum3A_303 = vector.multi_reduction <add>, %add3A_299, %reduce_sum3A_302 [0] : vector<128x64xf32> to vector<64xf32>
    %broadcast_in_dim3A_304 = vector.shape_cast %reduce_sum3A_303 : vector<64xf32> to vector<1x64xf32>
    %add3A_305 = arith.addf %add3A_283, %broadcast_in_dim3A_304 : vector<1x64xf32>
    %mul3A_306 = arith.mulf %add3A_299, %add3A_299 : vector<128x64xf32>
    %reduce_sum3A_307 = arith.constant dense<0.000000e+00> : vector<64xf32>
    %reduce_sum3A_308 = vector.multi_reduction <add>, %mul3A_306, %reduce_sum3A_307 [0] : vector<128x64xf32> to vector<64xf32>
    %broadcast_in_dim3A_309 = vector.shape_cast %reduce_sum3A_308 : vector<64xf32> to vector<1x64xf32>
    %add3A_310 = arith.addf %add3A_288, %broadcast_in_dim3A_309 : vector<1x64xf32>
    %get3A_311 = arith.constant 0 : index
    %get3A_312 = arith.constant 0 : index
    %get3A_313 = arith.constant 14 : index
    %get3A_314 = arith.constant 0 : index
    %get3A_315 = vector.load %arg2[%get3A_311, %get3A_312, %get3A_313, %get3A_314] : memref<1x128x20x64xbf16, #tpu.memory_space<vmem>>, vector<1x128x1x64xbf16>
    %get3A_316 = vector.shape_cast %get3A_315 : vector<1x128x1x64xbf16> to vector<128x64xbf16>
    %convert_element_type3A_317 = arith.extf %get3A_316 : vector<128x64xbf16> to vector<128x64xf32>
    %slice3A_318 = vector.extract_strided_slice %get3A_3 {offsets = [0, 14], sizes = [128, 1], strides = [1, 1]} : vector<128x20xf32> to vector<128x1xf32>
    %mul3A_319 = vector.broadcast %slice3A_318 : vector<128x1xf32> to vector<128x64xf32>
    %mul3A_320 = arith.mulf %mul3A_319, %convert_element_type3A_317 : vector<128x64xf32>
    %add3A_321 = arith.addf %get3A_8, %mul3A_320 : vector<128x64xf32>
    %max3A_322 = arith.maximumf %max3A_300, %add3A_321 : vector<128x64xf32>
    %min3A_323 = arith.minimumf %min3A_301, %add3A_321 : vector<128x64xf32>
    %reduce_sum3A_324 = arith.constant dense<0.000000e+00> : vector<64xf32>
    %reduce_sum3A_325 = vector.multi_reduction <add>, %add3A_321, %reduce_sum3A_324 [0] : vector<128x64xf32> to vector<64xf32>
    %broadcast_in_dim3A_326 = vector.shape_cast %reduce_sum3A_325 : vector<64xf32> to vector<1x64xf32>
    %add3A_327 = arith.addf %add3A_305, %broadcast_in_dim3A_326 : vector<1x64xf32>
    %mul3A_328 = arith.mulf %add3A_321, %add3A_321 : vector<128x64xf32>
    %reduce_sum3A_329 = arith.constant dense<0.000000e+00> : vector<64xf32>
    %reduce_sum3A_330 = vector.multi_reduction <add>, %mul3A_328, %reduce_sum3A_329 [0] : vector<128x64xf32> to vector<64xf32>
    %broadcast_in_dim3A_331 = vector.shape_cast %reduce_sum3A_330 : vector<64xf32> to vector<1x64xf32>
    %add3A_332 = arith.addf %add3A_310, %broadcast_in_dim3A_331 : vector<1x64xf32>
    %get3A_333 = arith.constant 0 : index
    %get3A_334 = arith.constant 0 : index
    %get3A_335 = arith.constant 15 : index
    %get3A_336 = arith.constant 0 : index
    %get3A_337 = vector.load %arg2[%get3A_333, %get3A_334, %get3A_335, %get3A_336] : memref<1x128x20x64xbf16, #tpu.memory_space<vmem>>, vector<1x128x1x64xbf16>
    %get3A_338 = vector.shape_cast %get3A_337 : vector<1x128x1x64xbf16> to vector<128x64xbf16>
    %convert_element_type3A_339 = arith.extf %get3A_338 : vector<128x64xbf16> to vector<128x64xf32>
    %slice3A_340 = vector.extract_strided_slice %get3A_3 {offsets = [0, 15], sizes = [128, 1], strides = [1, 1]} : vector<128x20xf32> to vector<128x1xf32>
    %mul3A_341 = vector.broadcast %slice3A_340 : vector<128x1xf32> to vector<128x64xf32>
    %mul3A_342 = arith.mulf %mul3A_341, %convert_element_type3A_339 : vector<128x64xf32>
    %add3A_343 = arith.addf %get3A_8, %mul3A_342 : vector<128x64xf32>
    %max3A_344 = arith.maximumf %max3A_322, %add3A_343 : vector<128x64xf32>
    %min3A_345 = arith.minimumf %min3A_323, %add3A_343 : vector<128x64xf32>
    %reduce_sum3A_346 = arith.constant dense<0.000000e+00> : vector<64xf32>
    %reduce_sum3A_347 = vector.multi_reduction <add>, %add3A_343, %reduce_sum3A_346 [0] : vector<128x64xf32> to vector<64xf32>
    %broadcast_in_dim3A_348 = vector.shape_cast %reduce_sum3A_347 : vector<64xf32> to vector<1x64xf32>
    %add3A_349 = arith.addf %add3A_327, %broadcast_in_dim3A_348 : vector<1x64xf32>
    %mul3A_350 = arith.mulf %add3A_343, %add3A_343 : vector<128x64xf32>
    %reduce_sum3A_351 = arith.constant dense<0.000000e+00> : vector<64xf32>
    %reduce_sum3A_352 = vector.multi_reduction <add>, %mul3A_350, %reduce_sum3A_351 [0] : vector<128x64xf32> to vector<64xf32>
    %broadcast_in_dim3A_353 = vector.shape_cast %reduce_sum3A_352 : vector<64xf32> to vector<1x64xf32>
    %add3A_354 = arith.addf %add3A_332, %broadcast_in_dim3A_353 : vector<1x64xf32>
    %get3A_355 = arith.constant 0 : index
    %get3A_356 = arith.constant 0 : index
    %get3A_357 = arith.constant 16 : index
    %get3A_358 = arith.constant 0 : index
    %get3A_359 = vector.load %arg2[%get3A_355, %get3A_356, %get3A_357, %get3A_358] : memref<1x128x20x64xbf16, #tpu.memory_space<vmem>>, vector<1x128x1x64xbf16>
    %get3A_360 = vector.shape_cast %get3A_359 : vector<1x128x1x64xbf16> to vector<128x64xbf16>
    %convert_element_type3A_361 = arith.extf %get3A_360 : vector<128x64xbf16> to vector<128x64xf32>
    %slice3A_362 = vector.extract_strided_slice %get3A_3 {offsets = [0, 16], sizes = [128, 1], strides = [1, 1]} : vector<128x20xf32> to vector<128x1xf32>
    %mul3A_363 = vector.broadcast %slice3A_362 : vector<128x1xf32> to vector<128x64xf32>
    %mul3A_364 = arith.mulf %mul3A_363, %convert_element_type3A_361 : vector<128x64xf32>
    %add3A_365 = arith.addf %get3A_8, %mul3A_364 : vector<128x64xf32>
    %max3A_366 = arith.maximumf %max3A_344, %add3A_365 : vector<128x64xf32>
    %min3A_367 = arith.minimumf %min3A_345, %add3A_365 : vector<128x64xf32>
    %reduce_sum3A_368 = arith.constant dense<0.000000e+00> : vector<64xf32>
    %reduce_sum3A_369 = vector.multi_reduction <add>, %add3A_365, %reduce_sum3A_368 [0] : vector<128x64xf32> to vector<64xf32>
    %broadcast_in_dim3A_370 = vector.shape_cast %reduce_sum3A_369 : vector<64xf32> to vector<1x64xf32>
    %add3A_371 = arith.addf %add3A_349, %broadcast_in_dim3A_370 : vector<1x64xf32>
    %mul3A_372 = arith.mulf %add3A_365, %add3A_365 : vector<128x64xf32>
    %reduce_sum3A_373 = arith.constant dense<0.000000e+00> : vector<64xf32>
    %reduce_sum3A_374 = vector.multi_reduction <add>, %mul3A_372, %reduce_sum3A_373 [0] : vector<128x64xf32> to vector<64xf32>
    %broadcast_in_dim3A_375 = vector.shape_cast %reduce_sum3A_374 : vector<64xf32> to vector<1x64xf32>
    %add3A_376 = arith.addf %add3A_354, %broadcast_in_dim3A_375 : vector<1x64xf32>
    %get3A_377 = arith.constant 0 : index
    %get3A_378 = arith.constant 0 : index
    %get3A_379 = arith.constant 17 : index
    %get3A_380 = arith.constant 0 : index
    %get3A_381 = vector.load %arg2[%get3A_377, %get3A_378, %get3A_379, %get3A_380] : memref<1x128x20x64xbf16, #tpu.memory_space<vmem>>, vector<1x128x1x64xbf16>
    %get3A_382 = vector.shape_cast %get3A_381 : vector<1x128x1x64xbf16> to vector<128x64xbf16>
    %convert_element_type3A_383 = arith.extf %get3A_382 : vector<128x64xbf16> to vector<128x64xf32>
    %slice3A_384 = vector.extract_strided_slice %get3A_3 {offsets = [0, 17], sizes = [128, 1], strides = [1, 1]} : vector<128x20xf32> to vector<128x1xf32>
    %mul3A_385 = vector.broadcast %slice3A_384 : vector<128x1xf32> to vector<128x64xf32>
    %mul3A_386 = arith.mulf %mul3A_385, %convert_element_type3A_383 : vector<128x64xf32>
    %add3A_387 = arith.addf %get3A_8, %mul3A_386 : vector<128x64xf32>
    %max3A_388 = arith.maximumf %max3A_366, %add3A_387 : vector<128x64xf32>
    %min3A_389 = arith.minimumf %min3A_367, %add3A_387 : vector<128x64xf32>
    %reduce_sum3A_390 = arith.constant dense<0.000000e+00> : vector<64xf32>
    %reduce_sum3A_391 = vector.multi_reduction <add>, %add3A_387, %reduce_sum3A_390 [0] : vector<128x64xf32> to vector<64xf32>
    %broadcast_in_dim3A_392 = vector.shape_cast %reduce_sum3A_391 : vector<64xf32> to vector<1x64xf32>
    %add3A_393 = arith.addf %add3A_371, %broadcast_in_dim3A_392 : vector<1x64xf32>
    %mul3A_394 = arith.mulf %add3A_387, %add3A_387 : vector<128x64xf32>
    %reduce_sum3A_395 = arith.constant dense<0.000000e+00> : vector<64xf32>
    %reduce_sum3A_396 = vector.multi_reduction <add>, %mul3A_394, %reduce_sum3A_395 [0] : vector<128x64xf32> to vector<64xf32>
    %broadcast_in_dim3A_397 = vector.shape_cast %reduce_sum3A_396 : vector<64xf32> to vector<1x64xf32>
    %add3A_398 = arith.addf %add3A_376, %broadcast_in_dim3A_397 : vector<1x64xf32>
    %get3A_399 = arith.constant 0 : index
    %get3A_400 = arith.constant 0 : index
    %get3A_401 = arith.constant 18 : index
    %get3A_402 = arith.constant 0 : index
    %get3A_403 = vector.load %arg2[%get3A_399, %get3A_400, %get3A_401, %get3A_402] : memref<1x128x20x64xbf16, #tpu.memory_space<vmem>>, vector<1x128x1x64xbf16>
    %get3A_404 = vector.shape_cast %get3A_403 : vector<1x128x1x64xbf16> to vector<128x64xbf16>
    %convert_element_type3A_405 = arith.extf %get3A_404 : vector<128x64xbf16> to vector<128x64xf32>
    %slice3A_406 = vector.extract_strided_slice %get3A_3 {offsets = [0, 18], sizes = [128, 1], strides = [1, 1]} : vector<128x20xf32> to vector<128x1xf32>
    %mul3A_407 = vector.broadcast %slice3A_406 : vector<128x1xf32> to vector<128x64xf32>
    %mul3A_408 = arith.mulf %mul3A_407, %convert_element_type3A_405 : vector<128x64xf32>
    %add3A_409 = arith.addf %get3A_8, %mul3A_408 : vector<128x64xf32>
    %max3A_410 = arith.maximumf %max3A_388, %add3A_409 : vector<128x64xf32>
    %min3A_411 = arith.minimumf %min3A_389, %add3A_409 : vector<128x64xf32>
    %reduce_sum3A_412 = arith.constant dense<0.000000e+00> : vector<64xf32>
    %reduce_sum3A_413 = vector.multi_reduction <add>, %add3A_409, %reduce_sum3A_412 [0] : vector<128x64xf32> to vector<64xf32>
    %broadcast_in_dim3A_414 = vector.shape_cast %reduce_sum3A_413 : vector<64xf32> to vector<1x64xf32>
    %add3A_415 = arith.addf %add3A_393, %broadcast_in_dim3A_414 : vector<1x64xf32>
    %mul3A_416 = arith.mulf %add3A_409, %add3A_409 : vector<128x64xf32>
    %reduce_sum3A_417 = arith.constant dense<0.000000e+00> : vector<64xf32>
    %reduce_sum3A_418 = vector.multi_reduction <add>, %mul3A_416, %reduce_sum3A_417 [0] : vector<128x64xf32> to vector<64xf32>
    %broadcast_in_dim3A_419 = vector.shape_cast %reduce_sum3A_418 : vector<64xf32> to vector<1x64xf32>
    %add3A_420 = arith.addf %add3A_398, %broadcast_in_dim3A_419 : vector<1x64xf32>
    %get3A_421 = arith.constant 0 : index
    %get3A_422 = arith.constant 0 : index
    %get3A_423 = arith.constant 19 : index
    %get3A_424 = arith.constant 0 : index
    %get3A_425 = vector.load %arg2[%get3A_421, %get3A_422, %get3A_423, %get3A_424] : memref<1x128x20x64xbf16, #tpu.memory_space<vmem>>, vector<1x128x1x64xbf16>
    %get3A_426 = vector.shape_cast %get3A_425 : vector<1x128x1x64xbf16> to vector<128x64xbf16>
    %convert_element_type3A_427 = arith.extf %get3A_426 : vector<128x64xbf16> to vector<128x64xf32>
    %slice3A_428 = vector.extract_strided_slice %get3A_3 {offsets = [0, 19], sizes = [128, 1], strides = [1, 1]} : vector<128x20xf32> to vector<128x1xf32>
    %mul3A_429 = vector.broadcast %slice3A_428 : vector<128x1xf32> to vector<128x64xf32>
    %mul3A_430 = arith.mulf %mul3A_429, %convert_element_type3A_427 : vector<128x64xf32>
    %add3A_431 = arith.addf %get3A_8, %mul3A_430 : vector<128x64xf32>
    %max3A_432 = arith.maximumf %max3A_410, %add3A_431 : vector<128x64xf32>
    %min3A_433 = arith.minimumf %min3A_411, %add3A_431 : vector<128x64xf32>
    %reduce_sum3A_434 = arith.constant dense<0.000000e+00> : vector<64xf32>
    %reduce_sum3A_435 = vector.multi_reduction <add>, %add3A_431, %reduce_sum3A_434 [0] : vector<128x64xf32> to vector<64xf32>
    %broadcast_in_dim3A_436 = vector.shape_cast %reduce_sum3A_435 : vector<64xf32> to vector<1x64xf32>
    %add3A_437 = arith.addf %add3A_415, %broadcast_in_dim3A_436 : vector<1x64xf32>
    %mul3A_438 = arith.mulf %add3A_431, %add3A_431 : vector<128x64xf32>
    %reduce_sum3A_439 = arith.constant dense<0.000000e+00> : vector<64xf32>
    %reduce_sum3A_440 = vector.multi_reduction <add>, %mul3A_438, %reduce_sum3A_439 [0] : vector<128x64xf32> to vector<64xf32>
    %broadcast_in_dim3A_441 = vector.shape_cast %reduce_sum3A_440 : vector<64xf32> to vector<1x64xf32>
    %add3A_442 = arith.addf %add3A_420, %broadcast_in_dim3A_441 : vector<1x64xf32>
    %swap3A = arith.constant 0 : index
    %swap3A_443 = arith.constant 0 : index
    %swap3A_444 = arith.constant 0 : index
    %swap3A_445 = vector.load %arg5[%swap3A, %swap3A_443, %swap3A_444] : memref<1x128x64xf32, #tpu.memory_space<vmem>>, vector<1x128x64xf32>
    %swap3A_446 = vector.shape_cast %swap3A_445 : vector<1x128x64xf32> to vector<128x64xf32>
    %swap3A_447 = vector.shape_cast %max3A_432 : vector<128x64xf32> to vector<1x128x64xf32>
    tpu.vector_store %arg5[%swap3A, %swap3A_443, %swap3A_444], %swap3A_447 {strides = array<i32>} : memref<1x128x64xf32, #tpu.memory_space<vmem>>, vector<1x128x64xf32>,
    %swap3A_448 = arith.constant 0 : index
    %swap3A_449 = arith.constant 0 : index
    %swap3A_450 = arith.constant 0 : index
    %swap3A_451 = vector.load %arg6[%swap3A_448, %swap3A_449, %swap3A_450] : memref<1x128x64xf32, #tpu.memory_space<vmem>>, vector<1x128x64xf32>
    %swap3A_452 = vector.shape_cast %swap3A_451 : vector<1x128x64xf32> to vector<128x64xf32>
    %swap3A_453 = vector.shape_cast %min3A_433 : vector<128x64xf32> to vector<1x128x64xf32>
    tpu.vector_store %arg6[%swap3A_448, %swap3A_449, %swap3A_450], %swap3A_453 {strides = array<i32>} : memref<1x128x64xf32, #tpu.memory_space<vmem>>, vector<1x128x64xf32>,
    %mul3A_454 = arith.constant 16 : i32
    %mul3A_455 = arith.muli %arg0, %mul3A_454 : i32
    %add3A_456 = arith.addi %mul3A_455, %arg1 : i32
    %eq3A = arith.constant 0 : i32
    %eq3A_457 = arith.cmpi eq, %add3A_456, %eq3A : i32
    %convert_element_type3A_458 = arith.extui %eq3A_457 : i1 to i32
    %cond3A = arith.constant 0 : i32
    %cond3A_459 = arith.cmpi ne, %convert_element_type3A_458, %cond3A : i32
    scf.if %cond3A_459 {
      %broadcast_in_dim3A_474 = arith.constant 0.000000e+00 : f32
      %broadcast_in_dim3A_475 = vector.broadcast %broadcast_in_dim3A_474 : f32 to vector<1x64xf32>
      %swap3A_476 = arith.constant 0 : index
      %swap3A_477 = arith.constant 0 : index
      %swap3A_478 = vector.load %arg7[%swap3A_476, %swap3A_477] : memref<1x64xf32, #tpu.memory_space<vmem>>, vector<1x64xf32>
      tpu.vector_store %arg7[%swap3A_476, %swap3A_477], %broadcast_in_dim3A_475 {strides = array<i32>} : memref<1x64xf32, #tpu.memory_space<vmem>>, vector<1x64xf32>,
      %broadcast_in_dim3A_479 = arith.constant 0.000000e+00 : f32
      %broadcast_in_dim3A_480 = vector.broadcast %broadcast_in_dim3A_479 : f32 to vector<1x64xf32>
      %swap3A_481 = arith.constant 0 : index
      %swap3A_482 = arith.constant 0 : index
      %swap3A_483 = vector.load %arg8[%swap3A_481, %swap3A_482] : memref<1x64xf32, #tpu.memory_space<vmem>>, vector<1x64xf32>
      tpu.vector_store %arg8[%swap3A_481, %swap3A_482], %broadcast_in_dim3A_480 {strides = array<i32>} : memref<1x64xf32, #tpu.memory_space<vmem>>, vector<1x64xf32>,
    } else {
    }
    %get3A_460 = arith.constant 0 : index
    %get3A_461 = arith.constant 0 : index
    %get3A_462 = vector.load %arg7[%get3A_460, %get3A_461] : memref<1x64xf32, #tpu.memory_space<vmem>>, vector<1x64xf32>
    %add3A_463 = arith.addf %get3A_462, %add3A_437 : vector<1x64xf32>
    %swap3A_464 = arith.constant 0 : index
    %swap3A_465 = arith.constant 0 : index
    %swap3A_466 = vector.load %arg7[%swap3A_464, %swap3A_465] : memref<1x64xf32, #tpu.memory_space<vmem>>, vector<1x64xf32>
    tpu.vector_store %arg7[%swap3A_464, %swap3A_465], %add3A_463 {strides = array<i32>} : memref<1x64xf32, #tpu.memory_space<vmem>>, vector<1x64xf32>,
    %get3A_467 = arith.constant 0 : index
    %get3A_468 = arith.constant 0 : index
    %get3A_469 = vector.load %arg8[%get3A_467, %get3A_468] : memref<1x64xf32, #tpu.memory_space<vmem>>, vector<1x64xf32>
    %add3A_470 = arith.addf %get3A_469, %add3A_442 : vector<1x64xf32>
    %swap3A_471 = arith.constant 0 : index
    %swap3A_472 = arith.constant 0 : index
    %swap3A_473 = vector.load %arg8[%swap3A_471, %swap3A_472] : memref<1x64xf32, #tpu.memory_space<vmem>>, vector<1x64xf32>
    tpu.vector_store %arg8[%swap3A_471, %swap3A_472], %add3A_470 {strides = array<i32>} : memref<1x64xf32, #tpu.memory_space<vmem>>, vector<1x64xf32>,
    return
  }
  func.func @transform_0(%arg0: i32, %arg1: i32) -> (i32, i32, i32, i32) {
    %c0_i32 = arith.constant 0 : i32
    %c0_i32_0 = arith.constant 0 : i32
    %c0_i32_1 = arith.constant 0 : i32
    return %arg0, %arg1, %c0_i32, %c0_i32_0 : i32, i32, i32, i32
  }
  func.func @transform_1(%arg0: i32, %arg1: i32) -> (i32, i32, i32) {
    %c0_i32 = arith.constant 0 : i32
    %c0_i32_0 = arith.constant 0 : i32
    return %arg0, %arg1, %c0_i32 : i32, i32, i32
  }
  func.func @transform_2(%arg0: i32, %arg1: i32) -> (i32, i32, i32) {
    %c0_i32 = arith.constant 0 : i32
    %c0_i32_0 = arith.constant 0 : i32
    return %arg0, %arg1, %c0_i32 : i32, i32, i32
  }
  func.func @transform_3(%arg0: i32, %arg1: i32) -> (i32, i32, i32) {
    %c0_i32 = arith.constant 0 : i32
    %c0_i32_0 = arith.constant 0 : i32
    return %arg0, %arg1, %c0_i32 : i32, i32, i32
  }
  func.func @transform_4(%arg0: i32, %arg1: i32) -> (i32, i32, i32) {
    %c0_i32 = arith.constant 0 : i32
    %c0_i32_0 = arith.constant 0 : i32
    return %arg0, %arg1, %c0_i32 : i32, i32, i32
  }
  func.func @transform_5(%arg0: i32, %arg1: i32) -> (i32, i32) {
    %c0_i32 = arith.constant 0 : i32
    %c0_i32_0 = arith.constant 0 : i32
    %c0_i32_1 = arith.constant 0 : i32
    return %c0_i32, %c0_i32_0 : i32, i32
  }
  func.func @transform_6(%arg0: i32, %arg1: i32) -> (i32, i32) {
    %c0_i32 = arith.constant 0 : i32
    %c0_i32_0 = arith.constant 0 : i32
    %c0_i32_1 = arith.constant 0 : i32
    return %c0_i32, %c0_i32_0 : i32, i32
  }
}

module attributes {stable_mosaic.version = 14 : i64} {
  func.func @_finalize_kernel(%arg0: i32, %arg1: i32, %arg2: memref<1x256x64xf32, #tpu.memory_space<vmem>>, %arg3: memref<1x256x64xf32, #tpu.memory_space<vmem>>, %arg4: memref<1x64xf32, #tpu.memory_space<vmem>>, %arg5: memref<1x64xf32, #tpu.memory_space<vmem>>, %arg6: memref<1x64xf32, #tpu.memory_space<vmem>>, %arg7: memref<1x64xf32, #tpu.memory_space<vmem>>, %arg8: memref<1x256x64xf32, #tpu.memory_space<vmem>>) attributes {dimension_semantics = [#tpu.dimension_semantics<arbitrary>, #tpu.dimension_semantics<arbitrary>], iteration_bounds = array<i64: 8, 8>, scalar_prefetch = 0 : i64, scratch_operands = 0 : i64, tpu.core_type = #tpu.core_type<tc>, window_params = [{transform_indices = @transform_0, window_bounds = array<i64: 1, 256, 64>}, {transform_indices = @transform_1, window_bounds = array<i64: 1, 256, 64>}, {pipeline_mode = #tpu.pipeline_mode<synchronous>, transform_indices = @transform_2, window_bounds = array<i64: 1, 64>}, {pipeline_mode = #tpu.pipeline_mode<synchronous>, transform_indices = @transform_3, window_bounds = array<i64: 1, 64>}, {pipeline_mode = #tpu.pipeline_mode<synchronous>, transform_indices = @transform_4, window_bounds = array<i64: 1, 64>}, {pipeline_mode = #tpu.pipeline_mode<synchronous>, transform_indices = @transform_5, window_bounds = array<i64: 1, 64>}, {transform_indices = @transform_6, window_bounds = array<i64: 1, 256, 64>}]} {
    %get3A = arith.constant 0 : index
    %get3A_0 = arith.constant 0 : index
    %get3A_1 = vector.load %arg4[%get3A, %get3A_0] : memref<1x64xf32, #tpu.memory_space<vmem>>, vector<1x64xf32>
    %get3A_2 = arith.constant 0 : index
    %get3A_3 = arith.constant 0 : index
    %get3A_4 = vector.load %arg5[%get3A_2, %get3A_3] : memref<1x64xf32, #tpu.memory_space<vmem>>, vector<1x64xf32>
    %mul3A = arith.constant 3.05175786E-6 : f32
    %mul3A_5 = vector.broadcast %mul3A : f32 to vector<1x64xf32>
    %mul3A_6 = arith.mulf %get3A_1, %mul3A_5 : vector<1x64xf32>
    %mul3A_7 = arith.constant 3.05175786E-6 : f32
    %mul3A_8 = vector.broadcast %mul3A_7 : f32 to vector<1x64xf32>
    %mul3A_9 = arith.mulf %get3A_4, %mul3A_8 : vector<1x64xf32>
    %mul3A_10 = arith.mulf %mul3A_6, %mul3A_6 : vector<1x64xf32>
    %sub3A = arith.subf %mul3A_9, %mul3A_10 : vector<1x64xf32>
    %get3A_11 = arith.constant 0 : index
    %get3A_12 = arith.constant 0 : index
    %get3A_13 = vector.load %arg6[%get3A_11, %get3A_12] : memref<1x64xf32, #tpu.memory_space<vmem>>, vector<1x64xf32>
    %add3A = arith.constant 9.99999974E-6 : f32
    %add3A_14 = vector.broadcast %add3A : f32 to vector<1x64xf32>
    %add3A_15 = arith.addf %sub3A, %add3A_14 : vector<1x64xf32>
    %rsqrt3A = math.rsqrt %add3A_15 : vector<1x64xf32>
    %mul3A_16 = arith.mulf %get3A_13, %rsqrt3A : vector<1x64xf32>
    %get3A_17 = arith.constant 0 : index
    %get3A_18 = arith.constant 0 : index
    %get3A_19 = vector.load %arg7[%get3A_17, %get3A_18] : memref<1x64xf32, #tpu.memory_space<vmem>>, vector<1x64xf32>
    %mul3A_20 = arith.mulf %mul3A_6, %mul3A_16 : vector<1x64xf32>
    %sub3A_21 = arith.subf %get3A_19, %mul3A_20 : vector<1x64xf32>
    %ge3A = arith.constant 0.000000e+00 : f32
    %ge3A_22 = vector.broadcast %ge3A : f32 to vector<1x64xf32>
    %ge3A_23 = arith.cmpf oge, %get3A_13, %ge3A_22 : vector<1x64xf32>
    %get3A_24 = arith.constant 0 : index
    %get3A_25 = arith.constant 0 : index
    %get3A_26 = arith.constant 0 : index
    %get3A_27 = vector.load %arg2[%get3A_24, %get3A_25, %get3A_26] : memref<1x256x64xf32, #tpu.memory_space<vmem>>, vector<1x256x64xf32>
    %get3A_28 = vector.shape_cast %get3A_27 : vector<1x256x64xf32> to vector<256x64xf32>
    %get3A_29 = arith.constant 0 : index
    %get3A_30 = arith.constant 0 : index
    %get3A_31 = arith.constant 0 : index
    %get3A_32 = vector.load %arg3[%get3A_29, %get3A_30, %get3A_31] : memref<1x256x64xf32, #tpu.memory_space<vmem>>, vector<1x256x64xf32>
    %get3A_33 = vector.shape_cast %get3A_32 : vector<1x256x64xf32> to vector<256x64xf32>
    %broadcast_in_dim3A = vector.shape_cast %ge3A_23 : vector<1x64xi1> to vector<1x64xi1>
    %broadcast_in_dim3A_34 = vector.broadcast %broadcast_in_dim3A : vector<1x64xi1> to vector<256x64xi1>
    %select_n3A = arith.select %broadcast_in_dim3A_34, %get3A_28, %get3A_33 : vector<256x64xi1>, vector<256x64xf32>
    %mul3A_35 = vector.broadcast %mul3A_16 : vector<1x64xf32> to vector<256x64xf32>
    %mul3A_36 = arith.mulf %select_n3A, %mul3A_35 : vector<256x64xf32>
    %add3A_37 = vector.broadcast %sub3A_21 : vector<1x64xf32> to vector<256x64xf32>
    %add3A_38 = arith.addf %mul3A_36, %add3A_37 : vector<256x64xf32>
    %max3A = arith.constant 0.000000e+00 : f32
    %max3A_39 = vector.broadcast %max3A : f32 to vector<256x64xf32>
    %max3A_40 = arith.maximumf %add3A_38, %max3A_39 : vector<256x64xf32>
    %swap3A = arith.constant 0 : index
    %swap3A_41 = arith.constant 0 : index
    %swap3A_42 = arith.constant 0 : index
    %swap3A_43 = vector.load %arg8[%swap3A, %swap3A_41, %swap3A_42] : memref<1x256x64xf32, #tpu.memory_space<vmem>>, vector<1x256x64xf32>
    %swap3A_44 = vector.shape_cast %swap3A_43 : vector<1x256x64xf32> to vector<256x64xf32>
    %swap3A_45 = vector.shape_cast %max3A_40 : vector<256x64xf32> to vector<1x256x64xf32>
    tpu.vector_store %arg8[%swap3A, %swap3A_41, %swap3A_42], %swap3A_45 {strides = array<i32>} : memref<1x256x64xf32, #tpu.memory_space<vmem>>, vector<1x256x64xf32>,
    return
  }
  func.func @transform_0(%arg0: i32, %arg1: i32) -> (i32, i32, i32) {
    %c0_i32 = arith.constant 0 : i32
    %c0_i32_0 = arith.constant 0 : i32
    return %arg0, %arg1, %c0_i32 : i32, i32, i32
  }
  func.func @transform_1(%arg0: i32, %arg1: i32) -> (i32, i32, i32) {
    %c0_i32 = arith.constant 0 : i32
    %c0_i32_0 = arith.constant 0 : i32
    return %arg0, %arg1, %c0_i32 : i32, i32, i32
  }
  func.func @transform_2(%arg0: i32, %arg1: i32) -> (i32, i32) {
    %c0_i32 = arith.constant 0 : i32
    %c0_i32_0 = arith.constant 0 : i32
    %c0_i32_1 = arith.constant 0 : i32
    return %c0_i32, %c0_i32_0 : i32, i32
  }
  func.func @transform_3(%arg0: i32, %arg1: i32) -> (i32, i32) {
    %c0_i32 = arith.constant 0 : i32
    %c0_i32_0 = arith.constant 0 : i32
    %c0_i32_1 = arith.constant 0 : i32
    return %c0_i32, %c0_i32_0 : i32, i32
  }
  func.func @transform_4(%arg0: i32, %arg1: i32) -> (i32, i32) {
    %c0_i32 = arith.constant 0 : i32
    %c0_i32_0 = arith.constant 0 : i32
    %c0_i32_1 = arith.constant 0 : i32
    return %c0_i32, %c0_i32_0 : i32, i32
  }
  func.func @transform_5(%arg0: i32, %arg1: i32) -> (i32, i32) {
    %c0_i32 = arith.constant 0 : i32
    %c0_i32_0 = arith.constant 0 : i32
    %c0_i32_1 = arith.constant 0 : i32
    return %c0_i32, %c0_i32_0 : i32, i32
  }
  func.func @transform_6(%arg0: i32, %arg1: i32) -> (i32, i32, i32) {
    %c0_i32 = arith.constant 0 : i32
    %c0_i32_0 = arith.constant 0 : i32
    return %arg0, %arg1, %c0_i32 : i32, i32, i32
  }
}

</mosaic_0001>

<sc_bundles>
// kernel: kernel.6.cloned.1.call-start
scs
__scs_entry_jumppad:
0x0: {  	(pc) =	sbr.rel $0x88, $3  }
0x1: {  	(tag) =	ssettag $0x0;
	lr =	simm.s32 $0x1  }
0x2: {  	[smem:$0x3F9C] =	sst lr;
	_ =	strace $0xD0000000  }
0x3: {  	_ = 	snop  }
0x4: {  	_ = 	snop  }
0x5: {  	_ = 	snop  }
0x6: {  	_ = 	snop  }
0x7: {  	_ = 	snop  }
__scs_overlays_trampoline_lowered:
0x8: {  	[smem:$0x3FAB] =	sst s0  }
0x9: {  	[smem:$0x3FAC] =	sst s1  }
0xa: {  	[smem:$0x3FAD] =	sst s2  }
0xb: {  	[smem:$0x3FAE] =	sst s3  }
0xc: {  	[smem:$0x3FAF] =	sst s4  }
0xd: {  	[smem:$0x3FB0] =	sst s5  }
0xe: {  	[smem:$0x3FB1] =	sst s6  }
0xf: {  	[smem:$0x3FB2] =	sst s7  }
0x10: {  	[smem:$0x3FB3] =	sst s8  }
0x11: {  	[smem:$0x3FB4] =	sst s9;
	s0 =	simm.s32 @!p0 $0x0  }
0x12: {  	s1 =	sld [smem:$0x3F9A];
	s0 =	simm.s32 @p0 $0x1  }
0x13: {  	[smem:$0x3FB5] =	sst s0;
	s0 =	simm.s32 @!p1 $0x0  }
0x14: {  	s2 =	sld [smem:$0x3F99];
	s0 =	simm.s32 @p1 $0x1  }
0x15: {  	[smem:$0x3FB6] =	sst s0;
	s0 =	simm.s32 @!p2 $0x0  }
0x16: {  	s3 =	sld [smem:$0x3FDB];
	s0 =	simm.s32 @p2 $0x1  }
0x17: {  	s4 =	simm.s32 $0x1BF5;
	[smem:$0x3FB8] =	sst s0  }
0x18: {  	s0 =	sld [smem:$0x3F9B];
	_ =	swait.ge [sflag:s4], $0x0  }
0x19: {  	s7 =	sld [smem:$0x3F9C]  }
0x1a: {  	s8 =	sadd.s32 $0xFFFFE003, lr  }
0x1b: {  	s9 =	sadd.s32 $0xFFFFFEF7, lr;
	s5 =	simm.s32 $0xFFFFFFFF;
	p2 =	slt.u32 s8, $0xFFFFF086  }
0x1c: {  	p1 =	slt.u32 s9, $0xF7A;
	s5 =	simm.s32 @!p2 $0x0  }
0x1d: {  	s5 =	simm.s32 @p1 $0x1;
	p0 =	seq.s32 s7, s2  }
0x1e: {  	s7 =	smul.u32 @!p0 $0xF7A, s2;
	p2 =	seq.s32 @!p0 s5, $0x0  }
0x1f: {  	s9 =	smul.u32 $0xF7A, s1;
	s8 =	simm.s32 @!p0 $0x1BF5;
	p2 =	por !p2, p0  }
0x20: {  	[sflag:s8] =	ssyncset.s32 @!p0 $0xFFFFF086;
	s6 =	sadd.s32 @!p0 s3, s7;
	s7 =	simm.s32 @!p0 $0x108  }
0x21: {  	s3 =	sadd.s32 s3, s9;
	s6 =	sadd.s32 @!p0 $0x88, s6;
	s7 =	simm.s32 @p2 $0x1082  }
0x22: {  	[simem:s7], [sflag:s8] =	dma.local @!p0 [hbm:s6], $0xF7A  }
0x23: {  	s9 =	sor.u32 $0xD0000000, s2;
	s6 =	simm.s32 $0x108;
	_ =	swait.ge @!p0 [sflag:s8], $0x0  }
0x24: {  	s3 =	sadd.s32 $0x88, s3;
	s6 =	simm.s32 @!p1 $0x1082;
	[sflag:s4] =	ssyncset.s32 $0xFFFFF086  }
0x25: {  	[simem:s6], [sflag:s4] =	dma.local [hbm:s3], $0xF7A  }
0x26: {  	[smem:$0x3F9C] =	sst s1;
	(tag) =	ssettag s2;
	_ =	strace s9  }
0x27: {  	s1 =	sld [smem:$0x3FAC]  }
0x28: {  	s2 =	sld [smem:$0x3FAD]  }
0x29: {  	s4 =	sld [smem:$0x3FAF]  }
0x2a: {  	p0 =	seq.s32 s5, $0x0;
	s5 =	sld [smem:$0x3FB0]  }
0x2b: {  	s6 =	sld [smem:$0x3FB1]  }
0x2c: {  	s7 =	sld [smem:$0x3FB2]  }
0x2d: {  	s3 =	simm.s32 $0x108;
	s8 =	sld [smem:$0x3FB3]  }
0x2e: {  	s3 =	simm.s32 @!p0 $0x1082;
	s9 =	sld [smem:$0x3FB4]  }
0x2f: {  	lr =	sadd.s32 s0, s3;
	s0 =	sld [smem:$0x3FAB]  }
0x30: {  	s3 =	sld [smem:$0x3FAE]  }
0x31: {  	[smem:$0x3FB7] =	sst s10  }
0x32: {  	s10 =	sld [smem:$0x3FB5];
	_ =	sdelay $0x3  }
0x33: {  	p0 =	seq.s32 s10, $0x1;
	s10 =	sld [smem:$0x3FB7];
	_ =	sdelay $0x3  }
0x34: {  	[smem:$0x3FB7] =	sst s10  }
0x35: {  	s10 =	sld [smem:$0x3FB6];
	_ =	sdelay $0x3  }
0x36: {  	p1 =	seq.s32 s10, $0x1;
	s10 =	sld [smem:$0x3FB7];
	_ =	sdelay $0x3  }
0x37: {  	[smem:$0x3FB7] =	sst s10  }
0x38: {  	s10 =	sld [smem:$0x3FB8]  }
0x39: {  	_ = 	snop;
	(pc) =	sbr.ind lr, $3  }
0x3a: {  	_ = 	snop  }
0x3b: {  	_ = 	snop  }
0x3c: {  	p2 =	seq.s32 s10, $0x1;
	s10 =	sld [smem:$0x3FB7]  }
0x3d: {  	_ =	shalt  }
0x3e: {  	_ =	shalt  }
0x3f: {  	_ =	shalt  }
0x40: {  	_ =	shalt  }
0x41: {  	_ =	shalt  }
0x42: {  	_ =	shalt  }
0x43: {  	_ =	shalt  }
0x44: {  	_ =	shalt  }
0x45: {  	_ =	shalt  }
0x46: {  	_ =	shalt  }
0x47: {  	_ =	shalt  }
0x48: {  	_ =	shalt  }
0x49: {  	_ =	shalt  }
0x4a: {  	_ =	shalt  }
0x4b: {  	_ =	shalt  }
0x4c: {  	_ =	shalt  }
0x4d: {  	_ =	shalt  }
0x4e: {  	_ =	shalt  }
0x4f: {  	_ =	shalt  }
0x50: {  	_ =	shalt  }
0x51: {  	_ =	shalt  }
0x52: {  	_ =	shalt  }
0x53: {  	_ =	shalt  }
0x54: {  	_ =	shalt  }
0x55: {  	_ =	shalt  }
0x56: {  	_ =	shalt  }
0x57: {  	_ =	shalt  }
0x58: {  	_ =	shalt  }
0x59: {  	_ =	shalt  }
0x5a: {  	_ =	shalt  }
0x5b: {  	_ =	shalt  }
0x5c: {  	_ =	shalt  }
0x5d: {  	_ =	shalt  }
0x5e: {  	_ =	shalt  }
0x5f: {  	_ =	shalt  }
0x60: {  	_ =	shalt  }
0x61: {  	_ =	shalt  }
0x62: {  	_ =	shalt  }
0x63: {  	_ =	shalt  }
0x64: {  	_ =	shalt  }
0x65: {  	_ =	shalt  }
0x66: {  	_ =	shalt  }
0x67: {  	_ =	shalt  }
0x68: {  	_ =	shalt  }
0x69: {  	_ =	shalt  }
0x6a: {  	_ =	shalt  }
0x6b: {  	_ =	shalt  }
0x6c: {  	_ =	shalt  }
0x6d: {  	_ =	shalt  }
0x6e: {  	_ =	shalt  }
0x6f: {  	_ =	shalt  }
0x70: {  	_ =	shalt  }
0x71: {  	_ =	shalt  }
0x72: {  	_ =	shalt  }
0x73: {  	_ =	shalt  }
0x74: {  	_ =	shalt  }
0x75: {  	_ =	shalt  }
0x76: {  	_ =	shalt  }
0x77: {  	_ =	shalt  }
0x78: {  	_ =	shalt  }
0x79: {  	_ =	shalt  }
0x7a: {  	_ =	shalt  }
0x7b: {  	_ =	shalt  }
0x7c: {  	_ =	shalt  }
0x7d: {  	_ =	shalt  }
0x7e: {  	_ =	shalt  }
0x7f: {  	_ =	shalt  }
0x80: {  	_ =	shalt  }
0x81: {  	_ =	shalt  }
0x82: {  	_ =	shalt  }
0x83: {  	_ =	shalt  }
0x84: {  	_ =	shalt  }
0x85: {  	_ =	shalt  }
0x86: {  	_ =	shalt  }
0x87: {  	_ =	shalt  }
.Lfunc_end0:
.L_simem_size_0:
called_computation_lowered:
.L_overlay_start_0:
0x88: {  	s2 =	sld [smem:$0x3FD9]  }
0x89: {  	s3 =	sld [smem:$0x3FFE];
	_ =	sdelay $0x1  }
0x8a: {  	s1 =	srdreg.scid  }
0x8b: {  	s0 =	sand.u32 $0x1, s1  }
0x8c: {  	s17 =	sshll.u32 s0, $0xA;
	s2 =	sadd.s32 s3, s2  }
0x8d: {  	s2 =	sadd.s32 s2, s17  }
0x8e: {  	[smem:$0x3FC3] =	sst s2  }
0x8f: {  	_ = 	snop  }
0x90: {  	s2 =	sld [smem:$0x3FD0];
	(tm) =	ssettm $0x1  }
0x91: {  	s18 =	sld [smem:$0x3FFB];
	_ =	sdelay $0x3  }
0x92: {  	_ =	strace s18  }
0x93: {  	s3 =	sld [smem:$0x3FFC];
	_ =	sdelay $0x3  }
0x94: {  	_ =	strace s3  }
0x95: {  	s3 =	sld [smem:$0x3FFD];
	_ =	sdelay $0x3  }
0x96: {  	_ =	strace s3  }
0x97: {  	_ =	strace $0x8FFFFFFF  }
0x98: {  	s19 =	sld [smem:$0x3FDB];
	_ =	sdelay $0x1  }
0x99: {  	s4 =	simm.s32 $_scs_section_size  }
0x9a: {  	s5 =	simm.s32 $_size__tile_overlayer_lowered;
	s6 =	simm.s32 $_tile_overlayer_lowered  }
0x9b: {  	s22 =	simm.s32 $0x1BFF;
	s21 =	sshll.u32 s6, $0x1;
	s3 =	sadd.s32 s4, s19  }
0x9c: {  	s7 =	simm.s32 $0x0;
	s20 =	sshll.u32 s5, $0x1;
	s5 =	sadd.s32 s21, s3  }
0x9d: {  	[timem:s7], [sflag:s22] =	dma.local [hbm:s5], s20  }
0x9e: {  	_ =	swait.ge [sflag:s22], s20  }
0x9f: {  	s4 =	ssub.s32 $0x0, s20;
	[sflag:s22] =	ssyncset.done $0x0  }
0xa0: {  	[sflag:s22] =	ssyncadd.s32 s4;
	_ =	sdelay $0x1  }
0xa1: {  	s23 =	simm.s32 $0x1B8B  }
0xa2: {  	_ =	swait.ge [sflag:s23], $0x1  }
0xa3: {  	[sflag:s23] =	ssyncset.done $0x0  }
0xa4: {  	s25 =	simm.s32 $0x1B8E;
	s24 =	sld [smem:$0x3FFE];
	[sflag:s23] =	ssyncadd.s32 $0xFFFFFFFF  }
0xa5: {  	s26 =	simm.s32 $execute0_lowered;
	[smem:$0x3FD2] =	sst s25  }
0xa6: {  	s5 =	sshll.u32 s26, $0x1;
	_ =	strace $0x80000046;
	[dreg:$0x1] =	wrdreg $0xFFFFFFFF  }
0xa7: {  	s28 =	simm.s32 $_size_execute0_lowered;
	s3 =	sadd.s32 s3, s5;
	[dreg:$0x0] =	wrdreg $0x0  }
0xa8: {  	s5 =	sshll.u32 s28, $0x1;
	[dreg:$0x2] =	wrdreg s3  }
0xa9: {  	[dreg:$0x3] =	wrdreg s5  }
0xaa: {  	[dreg:$0x4] =	wrdreg $0xC0  }
0xab: {  	_ =	task [dreg:s7], $0x5FFFF  }
0xac: {  	[dreg:$0x1] =	wrdreg $0xFFFFFFFF  }
0xad: {  	[dreg:$0x0] =	wrdreg $0x60  }
0xae: {  	[dreg:$0x2] =	wrdreg s2  }
0xaf: {  	[dreg:$0x3] =	wrdreg s24  }
0xb0: {  	[dreg:$0x4] =	wrdreg $0x9  }
0xb1: {  	_ =	task.clear_ibuf [dreg:s7], $0x5FFFF;
	_ =	strace $0x90000046  }
0xb2: {  	s29 =	simm.s32 $0x9;
	_ =	strace $0x80000048  }
0xb3: {  	_ =	swait.ge [sflag:s29], $0x1  }
0xb4: {  	[sflag:s29] =	ssyncadd.s32 $0xFFFFFFFF  }
0xb5: {  	_ =	strace $0x90000048  }
0xb6: {  	_ =	sfence  }
0xb7: {  	s30 =	sld [smem:$0x0];
	_ =	sdelay $0x2  }
0xb8: {  	s31 =	sshll.u32 s1, $0xD;
	s1 =	sshrl.u32 s1, $0x2  }
0xb9: {  	s3 =	sand.u32 $0x4000, s31;
	s1 =	sadd.s32 s1, s30  }
0xba: {  	s0 =	sor.u32 s3, s0;
	s1 =	sshll.u32 s1, $0x11  }
0xbb: {  	s0 =	sor.u32 s1, s0  }
0xbc: {  	s0 =	sadd.s32 $0x8F2B, s0  }
0xbd: {  	[sflag:s0] =	ssyncadd.remote.s32 $0x1  }
0xbe: {  	_ =	sfence.sel $0xFFFF  }
0xbf: {  	[dreg:$0x0] =	wrdreg $0xFFFFFFFF;
	(pc) =	sbr.abs _section_cstart, $3  }
0xc0: {  	[dreg:$0x1] =	wrdreg $0xFFFFFFFF  }
0xc1: {  	_ =	task.clear_ibuf [dreg:s7], $0x2FFFF;
	_ =	strace $0x9FFFFFFF  }
0xc2: {  	(tm) =	ssettm $0x7FFFFFFF  }
0xc3: {  	_ =	shalt  }
tec
execute0_lowered:
.L_overlay_start_1:
0x0: {  	(tag) =	ssettag $0x1  }
0x1: {  	s0 =	srdreg.scid;
	s2 =	rddreg [dreg:$0x0]  }
0x2: {  	s8 =	stileid.u32;
	s4 =	rddreg [dreg:$0x1];
	s3 =	simm.s32 $0x0  }
0x3: {  	s14 =	simm.s32 $0x9;
	s15 =	simm.s32 $0x80;
	s16 =	simm.s32 $0x2800  }
0x4: {  	s17 =	simm.s32 $0x3800;
	s19 =	simm.s32 $0x4800;
	s21 =	simm.s32 $0x5800  }
0x5: {  	s22 =	simm.s32 $0x1;
	s23 =	simm.s32 $0x5;
	s24 =	simm.s32 $0x2  }
0x6: {  	s28 =	simm.s32 $0x7;
	s29 =	simm.s32 $0x4;
	s9 =	smul.u32 $0x140000, s8  }
0x7: {  	s0 =	sand.u32 $0x1, s0;
	s1 =	sshll.u32 s8, $0x1;
	s8 =	smul.u32 $0x5000, s8  }
0x8: {  	s30 =	simm.s32 $0x8;
	s31 =	simm.s32 $0x0;
	s11 =	smul.u32 $0x2800, s0  }
0x9: {  	s1 =	sor.u32 s0, s1;
	s7 =	ssub.s32 $0x2, s0;
	s0 =	smul.u32 $0xA0000, s0  }
0xa: {  	[smem:$0x7FF] =	sst s3;
	s10 =	sadd.s32 $0xC1600, s4;
	s5 =	smul.u32 $0x2800, s1  }
0xb: {  	_ =	strace $0x80000047;
	s6 =	smul.u32 $0xA0000, s1;
	s25 =	sshrl.u32 s7, $0x1  }
0xc: {  	s1 =	smul.u32 $0xA000, s1;
	s7 =	ssub.s32 s7, s25;
	s11 =	sadd.s32 s11, s8  }
0xd: {  	s0 =	sadd.s32 s0, s9;
	s25 =	simm.s32 $0x6;
	s5 =	sshrl.u32 s5, $0x3  }
0xe: {  	s6 =	sshrl.u32 s6, $0x4;
	s1 =	sadd.s32 s10, s1;
	s11 =	sshll.u32 s11, $0x2  }
0xf: {  	s0 =	sshrl.u32 s0, $0x4;
	s5 =	sadd.s32 s5, s4;
	s6 =	sadd.s32 s10, s6  }
0x10: {  	s8 =	sadd.s32 $0x9C00, s1;
	s9 =	sadd.s32 $0x9E00, s1;
	s26 =	sadd.s32 s11, s10  }
0x11: {  	s10 =	sadd.s32 s0, s10;
	s4 =	sadd.s32 $0x41600, s5;
	s5 =	smax.u32 s7, $0x1  }
0x12: {  	s6 =	sadd.s32 $0x9800, s6;
	s7 =	sadd.s32 $0x9A00, s1;
	s11 =	sadd.s32 $0x600, s26  }
0x13: {  	s12 =	sadd.s32 $0x400, s26;
	s13 =	sadd.s32 $0x200, s26;
	s26 =	simm.s32 $0x3  }
.LBB2_1:
0x14: {  	[tilespmem:s3], [sflag:$0x9] =	stream.linear.gather [hbm4b:s4+s3], $0x2800, $0x38;
	[tilespmem:$0x6800] =	vst v63  }
0x15: {  	_ =	swait.ge [sflag:s14], $0x2800  }
0x16: {  	[sflag:s14] =	ssyncset.done $0x0  }
0x17: {  	[sflag:s14] =	ssyncadd.s32 $0xFFFFD800  }
0x18: {  	[tilespmem:s16], [sflag:$0x1] =	stream.indirect.gather [hbm4b:s2+s15], $0x20, s3, s15, $0xb8;
	[tilespmem:$0x6800] =	vst v63  }
0x19: {  	_ = 	snop  }
0x1a: {  	[tilespmem:s17], [sflag:$0x2] =	stream.indirect.gather [hbm4b:s2+s15], $0x20, s15, s15, $0xb8;
	[tilespmem:$0x6800] =	vst v63  }
0x1b: {  	s0 =	simm.s32 $0x100  }
0x1c: {  	[tilespmem:s19], [sflag:$0x3] =	stream.indirect.gather [hbm4b:s2+s15], $0x20, s0, s15, $0xb8;
	[tilespmem:$0x6800] =	vst v63  }
0x1d: {  	s18 =	simm.s32 $0x180  }
0x1e: {  	[tilespmem:s21], [sflag:$0x4] =	stream.indirect.gather [hbm4b:s2+s15], $0x20, s18, s15, $0xb8;
	[tilespmem:$0x6800] =	vst v63  }
0x1f: {  	_ =	swait.ge [sflag:s22], $0x1000  }
0x20: {  	[sflag:s22] =	ssyncset.done $0x0  }
0x21: {  	s20 =	sadd.s32 $0x0, s10;
	[sflag:s22] =	ssyncadd.s32 $0xFFFFF000  }
0x22: {  	[hbm4b:s20+s3] =	stream.linear.scatter [tilespmem:s16], [sflag:$0x5], $0x1000, $0x38;
	[tilespmem:$0x6800] =	vst v63  }
0x23: {  	_ =	swait.ge [sflag:s23], $0x1000  }
0x24: {  	[sflag:s23] =	ssyncset.done $0x0  }
0x25: {  	s1 =	simm.s32 $0x200;
	[sflag:s23] =	ssyncadd.s32 $0xFFFFF000  }
0x26: {  	[tilespmem:s16], [sflag:$0x1] =	stream.indirect.gather [hbm4b:s2+s15], $0x20, s1, s15, $0xb8;
	[tilespmem:$0x6800] =	vst v63  }
0x27: {  	_ =	swait.ge [sflag:s24], $0x1000  }
0x28: {  	[sflag:s24] =	ssyncset.done $0x0  }
0x29: {  	s18 =	sadd.s32 $0x0, s13;
	[sflag:s24] =	ssyncadd.s32 $0xFFFFF000  }
0x2a: {  	[hbm4b:s18+s3] =	stream.linear.scatter [tilespmem:s17], [sflag:$0x6], $0x1000, $0x38;
	[tilespmem:$0x6800] =	vst v63  }
0x2b: {  	_ =	swait.ge [sflag:s25], $0x1000  }
0x2c: {  	[sflag:s25] =	ssyncset.done $0x0  }
0x2d: {  	s20 =	simm.s32 $0x280;
	[sflag:s25] =	ssyncadd.s32 $0xFFFFF000  }
0x2e: {  	[tilespmem:s17], [sflag:$0x2] =	stream.indirect.gather [hbm4b:s2+s15], $0x20, s20, s15, $0xb8;
	[tilespmem:$0x6800] =	vst v63  }
0x2f: {  	_ =	swait.ge [sflag:s26], $0x1000  }
0x30: {  	[sflag:s26] =	ssyncset.done $0x0  }
0x31: {  	s1 =	sadd.s32 $0x0, s12;
	[sflag:s26] =	ssyncadd.s32 $0xFFFFF000  }
0x32: {  	[hbm4b:s1+s3] =	stream.linear.scatter [tilespmem:s19], [sflag:$0x7], $0x1000, $0x38;
	[tilespmem:$0x6800] =	vst v63  }
0x33: {  	_ =	swait.ge [sflag:s28], $0x1000  }
0x34: {  	[sflag:s28] =	ssyncset.done $0x0  }
0x35: {  	s18 =	simm.s32 $0x300;
	[sflag:s28] =	ssyncadd.s32 $0xFFFFF000  }
0x36: {  	[tilespmem:s19], [sflag:$0x3] =	stream.indirect.gather [hbm4b:s2+s15], $0x20, s18, s15, $0xb8;
	[tilespmem:$0x6800] =	vst v63  }
0x37: {  	_ =	swait.ge [sflag:s29], $0x1000  }
0x38: {  	[sflag:s29] =	ssyncset.done $0x0  }
0x39: {  	s20 =	sadd.s32 $0x0, s11;
	[sflag:s29] =	ssyncadd.s32 $0xFFFFF000  }
0x3a: {  	[hbm4b:s20+s3] =	stream.linear.scatter [tilespmem:s21], [sflag:$0x8], $0x1000, $0x38;
	[tilespmem:$0x6800] =	vst v63  }
0x3b: {  	_ =	swait.ge [sflag:s30], $0x1000  }
0x3c: {  	[sflag:s30] =	ssyncset.done $0x0  }
0x3d: {  	s0 =	simm.s32 $0x380;
	s1 =	simm.s32 $0x800;
	[sflag:s30] =	ssyncadd.s32 $0xFFFFF000  }
.LBB2_2:
0x3e: {  	[tilespmem:s21], [sflag:$0x4] =	stream.indirect.gather [hbm4b:s2+s15], $0x20, s0, s15, $0xb8;
	[tilespmem:$0x6800] =	vst v63  }
0x3f: {  	s0 =	smov.u32 s1  }
0x40: {  	p0 =	sne.s32 s1, $0x9000;
	s1 =	sadd.s32 $0x800, s1;
	_ =	swait.ge [sflag:s22], $0x1000  }
0x41: {  	[sflag:s22] =	ssyncset.done $0x0  }
0x42: {  	s18 =	sadd.s32 s0, s10;
	[sflag:s22] =	ssyncadd.s32 $0xFFFFF000  }
0x43: {  	[hbm4b:s18+s3] =	stream.linear.scatter [tilespmem:s16], [sflag:$0x5], $0x1000, $0x38;
	[tilespmem:$0x6800] =	vst v63  }
0x44: {  	_ =	swait.ge [sflag:s23], $0x1000  }
0x45: {  	s18 =	sshra.s32 s0, $0x2;
	[sflag:s23] =	ssyncset.done $0x0  }
0x46: {  	s20 =	sadd.s32 $0x200, s18;
	[sflag:s23] =	ssyncadd.s32 $0xFFFFF000  }
0x47: {  	[tilespmem:s16], [sflag:$0x1] =	stream.indirect.gather [hbm4b:s2+s15], $0x20, s20, s15, $0xb8;
	[tilespmem:$0x6800] =	vst v63  }
0x48: {  	_ =	swait.ge [sflag:s24], $0x1000  }
0x49: {  	[sflag:s24] =	ssyncset.done $0x0  }
0x4a: {  	s20 =	sadd.s32 s0, s13;
	[sflag:s24] =	ssyncadd.s32 $0xFFFFF000  }
0x4b: {  	[hbm4b:s20+s3] =	stream.linear.scatter [tilespmem:s17], [sflag:$0x6], $0x1000, $0x38;
	[tilespmem:$0x6800] =	vst v63  }
0x4c: {  	_ =	swait.ge [sflag:s25], $0x1000  }
0x4d: {  	[sflag:s25] =	ssyncset.done $0x0  }
0x4e: {  	s20 =	sadd.s32 $0x280, s18;
	[sflag:s25] =	ssyncadd.s32 $0xFFFFF000  }
0x4f: {  	[tilespmem:s17], [sflag:$0x2] =	stream.indirect.gather [hbm4b:s2+s15], $0x20, s20, s15, $0xb8;
	[tilespmem:$0x6800] =	vst v63  }
0x50: {  	_ =	swait.ge [sflag:s26], $0x1000  }
0x51: {  	[sflag:s26] =	ssyncset.done $0x0  }
0x52: {  	s20 =	sadd.s32 s0, s12;
	[sflag:s26] =	ssyncadd.s32 $0xFFFFF000  }
0x53: {  	[hbm4b:s20+s3] =	stream.linear.scatter [tilespmem:s19], [sflag:$0x7], $0x1000, $0x38;
	[tilespmem:$0x6800] =	vst v63  }
0x54: {  	_ =	swait.ge [sflag:s28], $0x1000  }
0x55: {  	[sflag:s28] =	ssyncset.done $0x0  }
0x56: {  	s20 =	sadd.s32 $0x300, s18;
	[sflag:s28] =	ssyncadd.s32 $0xFFFFF000  }
0x57: {  	[tilespmem:s19], [sflag:$0x3] =	stream.indirect.gather [hbm4b:s2+s15], $0x20, s20, s15, $0xb8;
	[tilespmem:$0x6800] =	vst v63  }
0x58: {  	_ =	swait.ge [sflag:s29], $0x1000  }
0x59: {  	[sflag:s29] =	ssyncset.done $0x0  }
.Ltmp0:
0x5a: {  	s0 =	sadd.s32 s0, s11;
	[sflag:s29] =	ssyncadd.s32 $0xFFFFF000;
	(pc) =	sbr.rel @p0 .LBB2_2-.Ltmp0, $4  }
0x5b: {  	[hbm4b:s0+s3] =	stream.linear.scatter [tilespmem:s21], [sflag:$0x8], $0x1000, $0x38;
	[tilespmem:$0x6800] =	vst v63  }
0x5c: {  	_ =	swait.ge [sflag:s30], $0x1000  }
0x5d: {  	[sflag:s30] =	ssyncset.done $0x0  }
0x5e: {  	s0 =	sadd.s32 $0x380, s18;
	[sflag:s30] =	ssyncadd.s32 $0xFFFFF000  }
0x5f: {  	[tilespmem:s21], [sflag:$0x4] =	stream.indirect.gather [hbm4b:s2+s15], $0x20, s0, s15, $0xb8;
	[tilespmem:$0x6800] =	vst v63  }
0x60: {  	_ =	swait.ge [sflag:s22], $0x1000  }
0x61: {  	[sflag:s22] =	ssyncset.done $0x0  }
0x62: {  	[sflag:s22] =	ssyncadd.s32 $0xFFFFF000  }
0x63: {  	[hbm4b:s6+s3] =	stream.linear.scatter [tilespmem:s16], [sflag:$0x5], $0x1000, $0x38;
	[tilespmem:$0x6800] =	vst v63  }
0x64: {  	_ =	swait.ge [sflag:s24], $0x1000  }
0x65: {  	[sflag:s24] =	ssyncset.done $0x0  }
0x66: {  	[sflag:s24] =	ssyncadd.s32 $0xFFFFF000  }
0x67: {  	[hbm4b:s7+s3] =	stream.linear.scatter [tilespmem:s17], [sflag:$0x6], $0x1000, $0x38;
	[tilespmem:$0x6800] =	vst v63  }
0x68: {  	_ =	swait.ge [sflag:s26], $0x1000  }
0x69: {  	[sflag:s26] =	ssyncset.done $0x0  }
0x6a: {  	[sflag:s26] =	ssyncadd.s32 $0xFFFFF000  }
0x6b: {  	[hbm4b:s8+s3] =	stream.linear.scatter [tilespmem:s19], [sflag:$0x7], $0x1000, $0x38;
	[tilespmem:$0x6800] =	vst v63  }
0x6c: {  	_ =	swait.ge [sflag:s29], $0x1000  }
0x6d: {  	[sflag:s29] =	ssyncset.done $0x0  }
0x6e: {  	[sflag:s29] =	ssyncadd.s32 $0xFFFFF000  }
0x6f: {  	[hbm4b:s9+s3] =	stream.linear.scatter [tilespmem:s21], [sflag:$0x8], $0x1000, $0x38;
	[tilespmem:$0x6800] =	vst v63  }
0x70: {  	_ =	swait.ge [sflag:s23], $0x1000  }
0x71: {  	[sflag:s23] =	ssyncset.done $0x0  }
0x72: {  	[sflag:s23] =	ssyncadd.s32 $0xFFFFF000  }
0x73: {  	_ =	swait.ge [sflag:s25], $0x1000  }
0x74: {  	[sflag:s25] =	ssyncset.done $0x0  }
0x75: {  	s31 =	sadd.s32 $0x1, s31;
	[sflag:s25] =	ssyncadd.s32 $0xFFFFF000  }
0x76: {  	p0 =	sne.s32 s31, s5;
	_ =	swait.ge [sflag:s28], $0x1000  }
.Ltmp1:
0x77: {  	[sflag:s28] =	ssyncset.done $0x0;
	(pc) =	sbr.rel @p0 .LBB2_1-.Ltmp1, $4  }
0x78: {  	[sflag:s28] =	ssyncadd.s32 $0xFFFFF000  }
0x79: {  	_ =	swait.ge [sflag:s30], $0x1000  }
0x7a: {  	[sflag:s30] =	ssyncset.done $0x0  }
0x7b: {  	[sflag:s30] =	ssyncadd.s32 $0xFFFFF000  }
0x7c: {  	_ =	sfence.sel $0x180000  }
0x7d: {  	[bflag:$0x0] =	sbarrier.arrive $0xFFFF  }
0x7e: {  	_ =	strace $0x90000047  }
0x7f: {  	s0 =	stileid.u32;
	[bflag:$0x2] =	sbarrier.arrive $0xFFFF  }
0x80: {  	p0 =	sne.s32 s0, $0x0;
	s0 =	rddreg [dreg:$0x2]  }
0x81: {  	s0 =	sadd.s32 @!p0 $0x100000, s0  }
0x82: {  	[sflag:s0] =	ssyncadd.tile.s32 @!p0 $0x1;
	_ =	shalt  }
.Lfunc_end2:
_tile_overlayer_lowered:
.L_overlay_start_2:
0x83: {  	(tag) =	ssettag $0x2  }
0x84: {  	s0 =	rddreg [dreg:$0x0];
	s2 =	stileid.u32  }
0x85: {  	s1 =	rddreg [dreg:$0x1];
	p0 =	sne.s32 s2, $0x0  }
0x86: {  	s3 =	rddreg [dreg:$0x2];
	[bflag:$0x3] =	sbarrier.arrive $0xFFFF;
	s2 =	simm.s32 @!p0 $0x1C09  }
0x87: {  	[timem:s3], [sflag:s2] =	dma.local @!p0 [hbm:s0], s1  }
0x88: {  	s0 =	simm.s32 @!p0 $0x9  }
0x89: {  	_ =	swait.ge @!p0 [sflag:s0], s1  }
0x8a: {  	s1 =	ssub.s32 @!p0 $0x0, s1;
	[sflag:s0] =	ssyncset.done @!p0 $0x0  }
0x8b: {  	[sflag:s0] =	ssyncadd.s32 @!p0 s1  }
0x8c: {  	[bflag:$0x3] =	sbarrier.arrive $0xFFFF  }
0x8d: {  	_ =	shalt  }

</sc_bundles>
